<compile_context>
chip_gen: v7x
topology: tpu7x:2x2x1
jax: 0.10.2.dev20260603
libtpu: 0.0.44.dev20260713+nightly
codegen_flags: <defaults>
</compile_context>

<pallas_src>
import functools

import jax
import jax.numpy as jnp
from jax import lax
from jax.experimental import pallas as pl
from jax.experimental.pallas import tpu as pltpu
from jax.experimental.pallas import tpu_sc as plsc

_NC = 2
_NS = 16
_NW = _NC * _NS
_CH = 128


def _make_gather(n_nodes, d, per_w):
  mesh = plsc.VectorSubcoreMesh(core_axis_name="c", subcore_axis_name="s")

  @functools.partial(
      pl.kernel,
      mesh=mesh,
      out_type=jax.ShapeDtypeStruct((_NW * per_w * _CH, d), jnp.float32),
      scratch_types=[
          pltpu.VMEM((per_w, _CH), jnp.int32),
          pltpu.VMEM((per_w * _CH, d), jnp.float32),
          pltpu.VMEM_SHARED((n_nodes, d), jnp.float32),
          pltpu.SemaphoreType.DMA,
      ],
      compiler_params=pltpu.CompilerParams(use_tc_tiling_on_sc=False),
  )
  def k(table, idx_hbm, out, idx_v, rows_v, tbl_s, sem):
    sid = lax.axis_index("s")
    w = sid * _NC + lax.axis_index("c")

    @pl.when(sid == 0)
    def _():
      pltpu.sync_copy(table, tbl_s)

    pltpu.sync_copy(idx_hbm.at[w], idx_v)
    plsc.subcore_barrier()
    copies = []
    for j in range(per_w):
      copies.append(pltpu.async_copy(
          tbl_s.at[idx_v.at[j]], rows_v.at[pl.ds(j * _CH, _CH)], sem))
    for c in copies:
      c.wait()
    pltpu.sync_copy(rows_v, out.at[pl.ds(w * per_w * _CH, per_w * _CH)])

  return k


def _make_scatter(n_nodes, d, per_w):
  mesh = plsc.VectorSubcoreMesh(core_axis_name="c", subcore_axis_name="s")

  @functools.partial(
      pl.kernel,
      mesh=mesh,
      out_type=jax.ShapeDtypeStruct((_NC, n_nodes, d), jnp.float32),
      scratch_types=[
          pltpu.VMEM((per_w, _CH), jnp.int32),
          pltpu.VMEM((per_w * _CH, d), jnp.float32),
          pltpu.VMEM_SHARED((n_nodes, d), jnp.float32),
      ],
      compiler_params=pltpu.CompilerParams(use_tc_tiling_on_sc=False),
  )
  def k(vals_hbm, idx_hbm, zeros_hbm, out, idx_v, rows_v, acc):
    cid = lax.axis_index("c")
    sid = lax.axis_index("s")
    w = cid * _NS + sid

    @pl.when(sid == 0)
    def _():
      pltpu.sync_copy(zeros_hbm, acc)

    plsc.subcore_barrier()
    pltpu.sync_copy(idx_hbm.at[w], idx_v)
    pltpu.sync_copy(vals_hbm.at[pl.ds(w * per_w * _CH, per_w * _CH)], rows_v)
    for j in range(per_w):
      pltpu.sync_copy(rows_v.at[pl.ds(j * _CH, _CH)],
                      acc.at[idx_v.at[j]], add=True)
    plsc.subcore_barrier()

    @pl.when(sid == 0)
    def _():
      pltpu.sync_copy(acc, out.at[cid])

  return k


def _edge_math_body(g_ref, aux_ref, wext_ref, w_comp_ref,
                    slwext_ref, a_wt_ref, a_b_ref, b_wt_ref, b_b_ref, out_ref):
  f32 = jnp.float32
  gb = g_ref[...]
  aux = aux_ref[...]
  blk = gb.shape[0]
  n_rels, n_bases = w_comp_ref.shape
  na = a_wt_ref.shape[0] - gb.shape[1]
  relf = aux[:, na:na + 1]
  onehot = (relf == lax.broadcasted_iota(
      jnp.int32, (1, n_rels), 1).astype(f32)).astype(f32)
  coeff = jnp.dot(onehot, w_comp_ref[...], preferred_element_type=f32)
  msg = jnp.zeros((blk, out_ref.shape[1] // 2), dtype=f32)
  for b in range(n_bases):
    msg = msg + coeff[:, b:b + 1] * jnp.dot(
        gb, wext_ref[b], preferred_element_type=f32)
  ecat = jnp.concatenate([gb, aux[:, :na]], axis=1)
  h = jnp.maximum(
      jnp.dot(ecat, a_wt_ref[...], preferred_element_type=f32) + a_b_ref[...],
      0.0)
  logit = jnp.dot(h, b_wt_ref[...], preferred_element_type=f32) + b_b_ref[...]
  att = 1.0 / (1.0 + jnp.exp(-logit))
  curr = jnp.dot(gb, slwext_ref[...], preferred_element_type=f32) + msg * att
  half = blk // 2
  out_ref[...] = jnp.concatenate([curr[:half], curr[half:]], axis=1)


def _combine_body(p_ref, o_ref):
  o_ref[...] = p_ref[0] + p_ref[1]


def kernel(node_feat, e2n_sp, total_target_relation, total_edge,
           total_relation_embed, total_relation, weight, w_comp,
           self_loop_weight, A_w, A_b, B_w, B_b):
  del e2n_sp
  n_nodes, inp_dim = node_feat.shape
  n_edges = total_edge.shape[1]
  out_dim = self_loop_weight.shape[1]
  attn_dim = total_relation_embed.shape[1]
  n_bases = weight.shape[0]
  f32 = jnp.float32

  grain = _NW * _CH
  e_pad = -(-n_edges // grain) * grain
  pad = e_pad - n_edges
  n_acc = n_nodes + 16

  per_w_g = 2 * e_pad // grain
  idx_int = jnp.stack(
      [jnp.pad(total_edge[0], (0, pad)), jnp.pad(total_edge[1], (0, pad))],
      axis=1).reshape(_NW, per_w_g, _CH)
  g = _make_gather(n_nodes, inp_dim, per_w_g)(node_feat, idx_int)
  gp = g.reshape(e_pad, 2 * inp_dim)

  aux = jnp.concatenate(
      [total_relation_embed, total_target_relation,
       total_relation.astype(f32)[:, None],
       jnp.zeros((n_edges, 2 * inp_dim - 2 * attn_dim - 1), f32)], axis=1)
  aux = jnp.pad(aux, ((0, pad), (0, 0)))

  blk = 4096
  n_blk = e_pad // blk
  zcol = jnp.zeros((inp_dim, out_dim), f32)
  wext = jnp.concatenate(
      [weight, jnp.broadcast_to(zcol, (n_bases, inp_dim, out_dim))], axis=1)
  slwext = jnp.concatenate([zcol, self_loop_weight], axis=0)
  curr2 = pl.pallas_call(
      _edge_math_body,
      grid=(n_blk,),
      in_specs=[
          pl.BlockSpec((blk, 2 * inp_dim), lambda i: (i, 0)),
          pl.BlockSpec((blk, 2 * inp_dim), lambda i: (i, 0)),
          pl.BlockSpec(wext.shape, lambda i: (0, 0, 0)),
          pl.BlockSpec(w_comp.shape, lambda i: (0, 0)),
          pl.BlockSpec(slwext.shape, lambda i: (0, 0)),
          pl.BlockSpec(A_w.shape[::-1], lambda i: (0, 0)),
          pl.BlockSpec((1, A_b.shape[0]), lambda i: (0, 0)),
          pl.BlockSpec(B_w.shape[::-1], lambda i: (0, 0)),
          pl.BlockSpec((1, 1), lambda i: (0, 0)),
      ],
      out_specs=pl.BlockSpec((blk // 2, 2 * out_dim), lambda i: (i, 0)),
      out_shape=jax.ShapeDtypeStruct((e_pad // 2, 2 * out_dim), f32),
  )(gp, aux, wext, w_comp,
    slwext, A_w.T, A_b.reshape(1, -1), B_w.T, B_b.reshape(1, 1))
  curr = curr2.reshape(e_pad, out_dim)

  per_w_s = e_pad // grain
  idx_t = jnp.pad(total_edge[1], (0, pad), constant_values=n_nodes).reshape(
      e_pad // blk, 2, blk // 2).transpose(0, 2, 1).reshape(
      _NW, per_w_s, _CH)
  partials = _make_scatter(n_acc, out_dim, per_w_s)(
      curr, idx_t, jnp.zeros((n_acc, out_dim), f32))

  summed = pl.pallas_call(
      _combine_body,
      grid=(1,),
      in_specs=[
          pl.BlockSpec((_NC, n_acc // 2, 2 * out_dim), lambda i: (0, 0, 0))],
      out_specs=pl.BlockSpec((n_acc // 2, 2 * out_dim), lambda i: (0, 0)),
      out_shape=jax.ShapeDtypeStruct((n_acc // 2, 2 * out_dim), f32),
  )(partials.reshape(_NC, n_acc // 2, 2 * out_dim))
  return summed.reshape(n_acc, out_dim)[:n_nodes]

# --- scband reference (transcript-rebuilt; emitter-appended) ---
"""Pipeline reference for scband-rgcnlayer-52905407152976 (READ-ONLY COPY).

The authoritative reference and input builder live on the scoring server;
editing this copy changes nothing except your own understanding.
"""

import jax, jax.numpy as jnp
import numpy as np

N = 5000      # n_nodes
E = 20000     # n_edges
INP = 64      # inp_dim
OUT = 64      # out_dim
ATTN = 32     # attn_rel_emb_dim
R = 16        # num_rels
NB = 8        # num_bases


def setup_inputs(seed: int = 0) -> dict:
    key = jax.random.key(seed)
    ks = jax.random.split(key, 12)
    node_feat = jax.random.normal(ks[0], (N, INP), dtype=jnp.float32)
    total_edge = jax.random.randint(ks[1], (2, E), 0, N, dtype=jnp.int32)
    # e2n incidence matrix: e2n_sp[n, e] = 1 if edge e's target node is n
    e2n_sp = jnp.zeros((N, E), dtype=jnp.float32).at[total_edge[1], jnp.arange(E)].set(1.0)
    total_relation = jax.random.randint(ks[2], (E,), 0, R, dtype=jnp.int32)
    total_target_relation = jax.random.normal(ks[3], (E, ATTN), dtype=jnp.float32)
    total_relation_embed = jax.random.normal(ks[4], (E, ATTN), dtype=jnp.float32)
    # learned parameters (xavier-uniform-like scale)
    weight = jax.random.normal(ks[5], (NB, INP, OUT), dtype=jnp.float32) * np.sqrt(2.0 / (INP + OUT))
    w_comp = jax.random.normal(ks[6], (R, NB), dtype=jnp.float32) * np.sqrt(2.0 / (R + NB))
    self_loop_weight = jax.random.normal(ks[7], (INP, OUT), dtype=jnp.float32) * np.sqrt(2.0 / (INP + OUT))
    A_w = jax.random.normal(ks[8], (INP, 2 * INP + 2 * ATTN), dtype=jnp.float32) * np.sqrt(1.0 / (2 * INP + 2 * ATTN))
    A_b = jnp.zeros((INP,), dtype=jnp.float32)
    B_w = jax.random.normal(ks[9], (1, INP), dtype=jnp.float32) * np.sqrt(1.0 / INP)
    B_b = jnp.zeros((1,), dtype=jnp.float32)
    return {
        'node_feat': node_feat,
        'e2n_sp': e2n_sp,
        'total_target_relation': total_target_relation,
        'total_edge': total_edge,
        'total_relation_embed': total_relation_embed,
        'total_relation': total_relation,
        'weight': weight,
        'w_comp': w_comp,
        'self_loop_weight': self_loop_weight,
        'A_w': A_w,
        'A_b': A_b,
        'B_w': B_w,
        'B_b': B_b,
    }


def reference(node_feat, e2n_sp, total_target_relation, total_edge, total_relation_embed,
              total_relation, weight, w_comp, self_loop_weight, A_w, A_b, B_w, B_b):
    # basis-decomposed relation weights: [R, INP, OUT]
    w_full = jnp.matmul(w_comp, weight.reshape(NB, INP * OUT)).reshape(R, INP, OUT)
    src = total_edge[0, :]
    tgt = total_edge[1, :]
    src_emb = jnp.take(node_feat, src, axis=0)          # [E, INP] gather
    tgt_emb = jnp.take(node_feat, tgt, axis=0)          # [E, INP] gather
    w = jnp.take(w_full, total_relation, axis=0)        # [E, INP, OUT] gather (memory-bound)
    # edge_dropout acts as identity in eval mode
    msg = jnp.einsum('ei,eio->eo', src_emb, w)          # per-edge bmm
    curr_emb = tgt_emb @ self_loop_weight               # [E, OUT]
    # attention over edges
    e = jnp.concatenate([src_emb, tgt_emb, total_relation_embed, total_target_relation], axis=1)
    h = jax.nn.relu(e @ A_w.T + A_b)
    a = jax.nn.sigmoid(h @ B_w.T + B_b)                 # [E, 1]
    curr_emb = curr_emb + msg * a
    # spmm: aggregate edge messages into nodes (e2n_sp @ curr_emb)
    node_repr = e2n_sp @ curr_emb                       # [N, OUT]
    # bias=None, activation=None, dropout=None in this config
    return node_repr

if __name__ == "__main__":
    import jax
    _d = setup_inputs()
    print(jax.jit(kernel)(*tuple(_d.values())))

</pallas_src>

<mosaic_0001>
#map = affine_map<(d0, d1) -> (0, 0)>
#map1 = affine_map<(d0, d1) -> (0, 0, 0)>
module attributes {stable_mosaic.version = 14 : i64} {
  func.func @k(%arg0: i32, %arg1: i32, %arg2: memref<20480x64xf32, #tpu.memory_space<hbm>>, %arg3: memref<32x5x128xi32, #tpu.memory_space<hbm>>, %arg4: memref<5016x64xf32, #tpu.memory_space<hbm>>, %arg5: memref<2x5016x64xf32, #tpu.memory_space<hbm>>, %arg6: memref<5x128xi32, #tpu.memory_space<vmem>>, %arg7: memref<640x64xf32, #tpu.memory_space<vmem>>, %arg8: memref<5016x64xf32, #tpu.memory_space<vmem_shared>>) attributes {dimension_semantics = [#tpu.dimension_semantics<core_parallel>, #tpu.dimension_semantics<subcore_parallel>], iteration_bounds = array<i64: 2, 16>, scalar_prefetch = 0 : i64, scratch_operands = 3 : i64, tpu.core_type = #tpu.core_type<sc_vector_subcore>, window_params = [{transform_indices = #map}, {transform_indices = #map1}, {transform_indices = #map}, {transform_indices = #map1}]} {
    %mul3A = arith.constant 16 : i32
    %mul3A_0 = arith.muli %arg0, %mul3A : i32
    %add3A = arith.addi %mul3A_0, %arg1 : i32
    %eq3A = arith.constant 0 : i32
    %eq3A_1 = arith.cmpi eq, %arg1, %eq3A : i32
    %convert_element_type3A = arith.extui %eq3A_1 : i1 to i32
    %cond3A = arith.constant 0 : i32
    %cond3A_2 = arith.cmpi ne, %convert_element_type3A, %cond3A : i32
    scf.if %cond3A_2 {
      "tpu.region"() ({
        %run_scoped3A_17 = tpu.sem_alloc : memref<!tpu.dma_semaphore, #tpu.memory_space<semaphore_mem>>
        tpu.enqueue_dma source(%arg4 : memref<5016x64xf32, #tpu.memory_space<hbm>>) target(%arg8 : memref<5016x64xf32, #tpu.memory_space<vmem_shared>>) target_semaphore(%run_scoped3A_17 : memref<!tpu.dma_semaphore, #tpu.memory_space<semaphore_mem>>)
        tpu.wait_dma2 semaphore(%run_scoped3A_17 : memref<!tpu.dma_semaphore, #tpu.memory_space<semaphore_mem>>) src(%arg4 : memref<5016x64xf32, #tpu.memory_space<hbm>>) dst(%arg8 : memref<5016x64xf32, #tpu.memory_space<vmem_shared>>)
        tpu.yield
      }) : () -> ()
    } else {
    }
    %barrier3A = arith.constant 0 : index
    tpu.barrier barrier_id(%barrier3A)
    "tpu.region"() ({
      %run_scoped3A_17 = tpu.sem_alloc : memref<!tpu.dma_semaphore, #tpu.memory_space<semaphore_mem>>
      %dma_start3A = arith.constant 0 : i32
      %dma_start3A_18 = arith.constant 0 : i32
      %dma_start3A_19 = tpu.memref_slice %arg3[%add3A, %dma_start3A, %dma_start3A_18] : memref<32x5x128xi32, #tpu.memory_space<hbm>> -> memref<1x5x128xi32, #tpu.memory_space<hbm>>
      %dma_start3A_20 = tpu.memref_squeeze %dma_start3A_19 : memref<1x5x128xi32, #tpu.memory_space<hbm>> -> memref<5x128xi32, #tpu.memory_space<hbm>>
      %dma_start3A_21 = arith.constant 0 : i32
      %dma_start3A_22 = arith.constant 0 : i32
      %dma_start3A_23 = tpu.memref_slice %arg3[%add3A, %dma_start3A_21, %dma_start3A_22] : memref<32x5x128xi32, #tpu.memory_space<hbm>> -> memref<1x5x128xi32, #tpu.memory_space<hbm>>
      %dma_start3A_24 = tpu.memref_squeeze %dma_start3A_23 : memref<1x5x128xi32, #tpu.memory_space<hbm>> -> memref<5x128xi32, #tpu.memory_space<hbm>>
      tpu.enqueue_dma source(%dma_start3A_24 : memref<5x128xi32, #tpu.memory_space<hbm>>) target(%arg6 : memref<5x128xi32, #tpu.memory_space<vmem>>) target_semaphore(%run_scoped3A_17 : memref<!tpu.dma_semaphore, #tpu.memory_space<semaphore_mem>>)
      %dma_wait3A = arith.constant 0 : i32
      %dma_wait3A_25 = arith.constant 0 : i32
      %dma_wait3A_26 = tpu.memref_slice %arg3[%add3A, %dma_wait3A, %dma_wait3A_25] : memref<32x5x128xi32, #tpu.memory_space<hbm>> -> memref<1x5x128xi32, #tpu.memory_space<hbm>>
      %dma_wait3A_27 = tpu.memref_squeeze %dma_wait3A_26 : memref<1x5x128xi32, #tpu.memory_space<hbm>> -> memref<5x128xi32, #tpu.memory_space<hbm>>
      %dma_wait3A_28 = arith.constant 0 : i32
      %dma_wait3A_29 = arith.constant 0 : i32
      %dma_wait3A_30 = tpu.memref_slice %arg3[%add3A, %dma_wait3A_28, %dma_wait3A_29] : memref<32x5x128xi32, #tpu.memory_space<hbm>> -> memref<1x5x128xi32, #tpu.memory_space<hbm>>
      %dma_wait3A_31 = tpu.memref_squeeze %dma_wait3A_30 : memref<1x5x128xi32, #tpu.memory_space<hbm>> -> memref<5x128xi32, #tpu.memory_space<hbm>>
      tpu.wait_dma2 semaphore(%run_scoped3A_17 : memref<!tpu.dma_semaphore, #tpu.memory_space<semaphore_mem>>) src(%dma_wait3A_31 : memref<5x128xi32, #tpu.memory_space<hbm>>) dst(%arg6 : memref<5x128xi32, #tpu.memory_space<vmem>>)
      tpu.yield
    }) : () -> ()
    %mul3A_3 = arith.constant 5 : i32
    %mul3A_4 = arith.muli %add3A, %mul3A_3 : i32
    %mul3A_5 = arith.constant 128 : i32
    %mul3A_6 = arith.muli %mul3A_4, %mul3A_5 : i32
    "tpu.region"() ({
      %run_scoped3A_17 = tpu.sem_alloc : memref<!tpu.dma_semaphore, #tpu.memory_space<semaphore_mem>>
      %dma_start3A = arith.constant 0 : i32
      %dma_start3A_18 = tpu.memref_slice %arg2[%mul3A_6, %dma_start3A] : memref<20480x64xf32, #tpu.memory_space<hbm>> -> memref<640x64xf32, #tpu.memory_space<hbm>>
      %dma_start3A_19 = arith.constant 0 : i32
      %dma_start3A_20 = tpu.memref_slice %arg2[%mul3A_6, %dma_start3A_19] : memref<20480x64xf32, #tpu.memory_space<hbm>> -> memref<640x64xf32, #tpu.memory_space<hbm>>
      tpu.enqueue_dma source(%dma_start3A_20 : memref<640x64xf32, #tpu.memory_space<hbm>>) target(%arg7 : memref<640x64xf32, #tpu.memory_space<vmem>>) target_semaphore(%run_scoped3A_17 : memref<!tpu.dma_semaphore, #tpu.memory_space<semaphore_mem>>)
      %dma_wait3A = arith.constant 0 : i32
      %dma_wait3A_21 = tpu.memref_slice %arg2[%mul3A_6, %dma_wait3A] : memref<20480x64xf32, #tpu.memory_space<hbm>> -> memref<640x64xf32, #tpu.memory_space<hbm>>
      %dma_wait3A_22 = arith.constant 0 : i32
      %dma_wait3A_23 = tpu.memref_slice %arg2[%mul3A_6, %dma_wait3A_22] : memref<20480x64xf32, #tpu.memory_space<hbm>> -> memref<640x64xf32, #tpu.memory_space<hbm>>
      tpu.wait_dma2 semaphore(%run_scoped3A_17 : memref<!tpu.dma_semaphore, #tpu.memory_space<semaphore_mem>>) src(%dma_wait3A_23 : memref<640x64xf32, #tpu.memory_space<hbm>>) dst(%arg7 : memref<640x64xf32, #tpu.memory_space<vmem>>)
      tpu.yield
    }) : () -> ()
    %run_scoped3A = arith.constant 0 : i32
    "tpu.region"() ({
      %run_scoped3A_17 = tpu.sem_alloc : memref<!tpu.dma_semaphore, #tpu.memory_space<semaphore_mem>>
      %dma_start3A = arith.constant 0 : i32
      %dma_start3A_18 = arith.constant 0 : i32
      %dma_start3A_19 = tpu.memref_slice %arg7[%dma_start3A, %dma_start3A_18] : memref<640x64xf32, #tpu.memory_space<vmem>> -> memref<128x64xf32, #tpu.memory_space<vmem>>
      %dma_start3A_20 = arith.constant 0 : i32
      %dma_start3A_21 = tpu.memref_slice %arg6[%run_scoped3A, %dma_start3A_20] : memref<5x128xi32, #tpu.memory_space<vmem>> -> memref<1x128xi32, #tpu.memory_space<vmem>>
      %dma_start3A_22 = tpu.memref_squeeze %dma_start3A_21 : memref<1x128xi32, #tpu.memory_space<vmem>> -> memref<128xi32, #tpu.memory_space<vmem>>
      %dma_start3A_23 = arith.constant 0 : i32
      %dma_start3A_24 = arith.constant 0 : i32
      %dma_start3A_25 = tpu.memref_slice %arg8[%dma_start3A_23, %dma_start3A_24] : memref<5016x64xf32, #tpu.memory_space<vmem_shared>> -> memref<5016x64xf32, #tpu.memory_space<vmem_shared>>
      tpu.enqueue_indirect_dma source(%dma_start3A_19 : memref<128x64xf32, #tpu.memory_space<vmem>>) target(%dma_start3A_25 : memref<5016x64xf32, #tpu.memory_space<vmem_shared>>) offsets(%dma_start3A_22 : memref<128xi32, #tpu.memory_space<vmem>>) semaphore(%run_scoped3A_17 : memref<!tpu.dma_semaphore, #tpu.memory_space<semaphore_mem>>) {add = true}
      %dma_wait3A = arith.constant 0 : i32
      %dma_wait3A_26 = arith.constant 0 : i32
      %dma_wait3A_27 = tpu.memref_slice %arg7[%dma_wait3A, %dma_wait3A_26] : memref<640x64xf32, #tpu.memory_space<vmem>> -> memref<128x64xf32, #tpu.memory_space<vmem>>
      %dma_wait3A_28 = arith.constant 0 : i32
      %dma_wait3A_29 = tpu.memref_slice %arg6[%run_scoped3A, %dma_wait3A_28] : memref<5x128xi32, #tpu.memory_space<vmem>> -> memref<1x128xi32, #tpu.memory_space<vmem>>
      %dma_wait3A_30 = tpu.memref_squeeze %dma_wait3A_29 : memref<1x128xi32, #tpu.memory_space<vmem>> -> memref<128xi32, #tpu.memory_space<vmem>>
      %dma_wait3A_31 = arith.constant 0 : i32
      %dma_wait3A_32 = arith.constant 0 : i32
      %dma_wait3A_33 = tpu.memref_slice %arg8[%dma_wait3A_31, %dma_wait3A_32] : memref<5016x64xf32, #tpu.memory_space<vmem_shared>> -> memref<5016x64xf32, #tpu.memory_space<vmem_shared>>
      tpu.wait_indirect_dma semaphore(%run_scoped3A_17 : memref<!tpu.dma_semaphore, #tpu.memory_space<semaphore_mem>>) src(%dma_wait3A_27 : memref<128x64xf32, #tpu.memory_space<vmem>>) dst(%dma_wait3A_33 : memref<5016x64xf32, #tpu.memory_space<vmem_shared>>)
      tpu.yield
    }) : () -> ()
    %run_scoped3A_7 = arith.constant 1 : i32
    "tpu.region"() ({
      %run_scoped3A_17 = tpu.sem_alloc : memref<!tpu.dma_semaphore, #tpu.memory_space<semaphore_mem>>
      %dma_start3A = arith.constant 128 : i32
      %dma_start3A_18 = arith.constant 0 : i32
      %dma_start3A_19 = tpu.memref_slice %arg7[%dma_start3A, %dma_start3A_18] : memref<640x64xf32, #tpu.memory_space<vmem>> -> memref<128x64xf32, #tpu.memory_space<vmem>>
      %dma_start3A_20 = arith.constant 0 : i32
      %dma_start3A_21 = tpu.memref_slice %arg6[%run_scoped3A_7, %dma_start3A_20] : memref<5x128xi32, #tpu.memory_space<vmem>> -> memref<1x128xi32, #tpu.memory_space<vmem>>
      %dma_start3A_22 = tpu.memref_squeeze %dma_start3A_21 : memref<1x128xi32, #tpu.memory_space<vmem>> -> memref<128xi32, #tpu.memory_space<vmem>>
      %dma_start3A_23 = arith.constant 0 : i32
      %dma_start3A_24 = arith.constant 0 : i32
      %dma_start3A_25 = tpu.memref_slice %arg8[%dma_start3A_23, %dma_start3A_24] : memref<5016x64xf32, #tpu.memory_space<vmem_shared>> -> memref<5016x64xf32, #tpu.memory_space<vmem_shared>>
      tpu.enqueue_indirect_dma source(%dma_start3A_19 : memref<128x64xf32, #tpu.memory_space<vmem>>) target(%dma_start3A_25 : memref<5016x64xf32, #tpu.memory_space<vmem_shared>>) offsets(%dma_start3A_22 : memref<128xi32, #tpu.memory_space<vmem>>) semaphore(%run_scoped3A_17 : memref<!tpu.dma_semaphore, #tpu.memory_space<semaphore_mem>>) {add = true}
      %dma_wait3A = arith.constant 128 : i32
      %dma_wait3A_26 = arith.constant 0 : i32
      %dma_wait3A_27 = tpu.memref_slice %arg7[%dma_wait3A, %dma_wait3A_26] : memref<640x64xf32, #tpu.memory_space<vmem>> -> memref<128x64xf32, #tpu.memory_space<vmem>>
      %dma_wait3A_28 = arith.constant 0 : i32
      %dma_wait3A_29 = tpu.memref_slice %arg6[%run_scoped3A_7, %dma_wait3A_28] : memref<5x128xi32, #tpu.memory_space<vmem>> -> memref<1x128xi32, #tpu.memory_space<vmem>>
      %dma_wait3A_30 = tpu.memref_squeeze %dma_wait3A_29 : memref<1x128xi32, #tpu.memory_space<vmem>> -> memref<128xi32, #tpu.memory_space<vmem>>
      %dma_wait3A_31 = arith.constant 0 : i32
      %dma_wait3A_32 = arith.constant 0 : i32
      %dma_wait3A_33 = tpu.memref_slice %arg8[%dma_wait3A_31, %dma_wait3A_32] : memref<5016x64xf32, #tpu.memory_space<vmem_shared>> -> memref<5016x64xf32, #tpu.memory_space<vmem_shared>>
      tpu.wait_indirect_dma semaphore(%run_scoped3A_17 : memref<!tpu.dma_semaphore, #tpu.memory_space<semaphore_mem>>) src(%dma_wait3A_27 : memref<128x64xf32, #tpu.memory_space<vmem>>) dst(%dma_wait3A_33 : memref<5016x64xf32, #tpu.memory_space<vmem_shared>>)
      tpu.yield
    }) : () -> ()
    %run_scoped3A_8 = arith.constant 2 : i32
    "tpu.region"() ({
      %run_scoped3A_17 = tpu.sem_alloc : memref<!tpu.dma_semaphore, #tpu.memory_space<semaphore_mem>>
      %dma_start3A = arith.constant 256 : i32
      %dma_start3A_18 = arith.constant 0 : i32
      %dma_start3A_19 = tpu.memref_slice %arg7[%dma_start3A, %dma_start3A_18] : memref<640x64xf32, #tpu.memory_space<vmem>> -> memref<128x64xf32, #tpu.memory_space<vmem>>
      %dma_start3A_20 = arith.constant 0 : i32
      %dma_start3A_21 = tpu.memref_slice %arg6[%run_scoped3A_8, %dma_start3A_20] : memref<5x128xi32, #tpu.memory_space<vmem>> -> memref<1x128xi32, #tpu.memory_space<vmem>>
      %dma_start3A_22 = tpu.memref_squeeze %dma_start3A_21 : memref<1x128xi32, #tpu.memory_space<vmem>> -> memref<128xi32, #tpu.memory_space<vmem>>
      %dma_start3A_23 = arith.constant 0 : i32
      %dma_start3A_24 = arith.constant 0 : i32
      %dma_start3A_25 = tpu.memref_slice %arg8[%dma_start3A_23, %dma_start3A_24] : memref<5016x64xf32, #tpu.memory_space<vmem_shared>> -> memref<5016x64xf32, #tpu.memory_space<vmem_shared>>
      tpu.enqueue_indirect_dma source(%dma_start3A_19 : memref<128x64xf32, #tpu.memory_space<vmem>>) target(%dma_start3A_25 : memref<5016x64xf32, #tpu.memory_space<vmem_shared>>) offsets(%dma_start3A_22 : memref<128xi32, #tpu.memory_space<vmem>>) semaphore(%run_scoped3A_17 : memref<!tpu.dma_semaphore, #tpu.memory_space<semaphore_mem>>) {add = true}
      %dma_wait3A = arith.constant 256 : i32
      %dma_wait3A_26 = arith.constant 0 : i32
      %dma_wait3A_27 = tpu.memref_slice %arg7[%dma_wait3A, %dma_wait3A_26] : memref<640x64xf32, #tpu.memory_space<vmem>> -> memref<128x64xf32, #tpu.memory_space<vmem>>
      %dma_wait3A_28 = arith.constant 0 : i32
      %dma_wait3A_29 = tpu.memref_slice %arg6[%run_scoped3A_8, %dma_wait3A_28] : memref<5x128xi32, #tpu.memory_space<vmem>> -> memref<1x128xi32, #tpu.memory_space<vmem>>
      %dma_wait3A_30 = tpu.memref_squeeze %dma_wait3A_29 : memref<1x128xi32, #tpu.memory_space<vmem>> -> memref<128xi32, #tpu.memory_space<vmem>>
      %dma_wait3A_31 = arith.constant 0 : i32
      %dma_wait3A_32 = arith.constant 0 : i32
      %dma_wait3A_33 = tpu.memref_slice %arg8[%dma_wait3A_31, %dma_wait3A_32] : memref<5016x64xf32, #tpu.memory_space<vmem_shared>> -> memref<5016x64xf32, #tpu.memory_space<vmem_shared>>
      tpu.wait_indirect_dma semaphore(%run_scoped3A_17 : memref<!tpu.dma_semaphore, #tpu.memory_space<semaphore_mem>>) src(%dma_wait3A_27 : memref<128x64xf32, #tpu.memory_space<vmem>>) dst(%dma_wait3A_33 : memref<5016x64xf32, #tpu.memory_space<vmem_shared>>)
      tpu.yield
    }) : () -> ()
    %run_scoped3A_9 = arith.constant 3 : i32
    "tpu.region"() ({
      %run_scoped3A_17 = tpu.sem_alloc : memref<!tpu.dma_semaphore, #tpu.memory_space<semaphore_mem>>
      %dma_start3A = arith.constant 384 : i32
      %dma_start3A_18 = arith.constant 0 : i32
      %dma_start3A_19 = tpu.memref_slice %arg7[%dma_start3A, %dma_start3A_18] : memref<640x64xf32, #tpu.memory_space<vmem>> -> memref<128x64xf32, #tpu.memory_space<vmem>>
      %dma_start3A_20 = arith.constant 0 : i32
      %dma_start3A_21 = tpu.memref_slice %arg6[%run_scoped3A_9, %dma_start3A_20] : memref<5x128xi32, #tpu.memory_space<vmem>> -> memref<1x128xi32, #tpu.memory_space<vmem>>
      %dma_start3A_22 = tpu.memref_squeeze %dma_start3A_21 : memref<1x128xi32, #tpu.memory_space<vmem>> -> memref<128xi32, #tpu.memory_space<vmem>>
      %dma_start3A_23 = arith.constant 0 : i32
      %dma_start3A_24 = arith.constant 0 : i32
      %dma_start3A_25 = tpu.memref_slice %arg8[%dma_start3A_23, %dma_start3A_24] : memref<5016x64xf32, #tpu.memory_space<vmem_shared>> -> memref<5016x64xf32, #tpu.memory_space<vmem_shared>>
      tpu.enqueue_indirect_dma source(%dma_start3A_19 : memref<128x64xf32, #tpu.memory_space<vmem>>) target(%dma_start3A_25 : memref<5016x64xf32, #tpu.memory_space<vmem_shared>>) offsets(%dma_start3A_22 : memref<128xi32, #tpu.memory_space<vmem>>) semaphore(%run_scoped3A_17 : memref<!tpu.dma_semaphore, #tpu.memory_space<semaphore_mem>>) {add = true}
      %dma_wait3A = arith.constant 384 : i32
      %dma_wait3A_26 = arith.constant 0 : i32
      %dma_wait3A_27 = tpu.memref_slice %arg7[%dma_wait3A, %dma_wait3A_26] : memref<640x64xf32, #tpu.memory_space<vmem>> -> memref<128x64xf32, #tpu.memory_space<vmem>>
      %dma_wait3A_28 = arith.constant 0 : i32
      %dma_wait3A_29 = tpu.memref_slice %arg6[%run_scoped3A_9, %dma_wait3A_28] : memref<5x128xi32, #tpu.memory_space<vmem>> -> memref<1x128xi32, #tpu.memory_space<vmem>>
      %dma_wait3A_30 = tpu.memref_squeeze %dma_wait3A_29 : memref<1x128xi32, #tpu.memory_space<vmem>> -> memref<128xi32, #tpu.memory_space<vmem>>
      %dma_wait3A_31 = arith.constant 0 : i32
      %dma_wait3A_32 = arith.constant 0 : i32
      %dma_wait3A_33 = tpu.memref_slice %arg8[%dma_wait3A_31, %dma_wait3A_32] : memref<5016x64xf32, #tpu.memory_space<vmem_shared>> -> memref<5016x64xf32, #tpu.memory_space<vmem_shared>>
      tpu.wait_indirect_dma semaphore(%run_scoped3A_17 : memref<!tpu.dma_semaphore, #tpu.memory_space<semaphore_mem>>) src(%dma_wait3A_27 : memref<128x64xf32, #tpu.memory_space<vmem>>) dst(%dma_wait3A_33 : memref<5016x64xf32, #tpu.memory_space<vmem_shared>>)
      tpu.yield
    }) : () -> ()
    %run_scoped3A_10 = arith.constant 4 : i32
    "tpu.region"() ({
      %run_scoped3A_17 = tpu.sem_alloc : memref<!tpu.dma_semaphore, #tpu.memory_space<semaphore_mem>>
      %dma_start3A = arith.constant 512 : i32
      %dma_start3A_18 = arith.constant 0 : i32
      %dma_start3A_19 = tpu.memref_slice %arg7[%dma_start3A, %dma_start3A_18] : memref<640x64xf32, #tpu.memory_space<vmem>> -> memref<128x64xf32, #tpu.memory_space<vmem>>
      %dma_start3A_20 = arith.constant 0 : i32
      %dma_start3A_21 = tpu.memref_slice %arg6[%run_scoped3A_10, %dma_start3A_20] : memref<5x128xi32, #tpu.memory_space<vmem>> -> memref<1x128xi32, #tpu.memory_space<vmem>>
      %dma_start3A_22 = tpu.memref_squeeze %dma_start3A_21 : memref<1x128xi32, #tpu.memory_space<vmem>> -> memref<128xi32, #tpu.memory_space<vmem>>
      %dma_start3A_23 = arith.constant 0 : i32
      %dma_start3A_24 = arith.constant 0 : i32
      %dma_start3A_25 = tpu.memref_slice %arg8[%dma_start3A_23, %dma_start3A_24] : memref<5016x64xf32, #tpu.memory_space<vmem_shared>> -> memref<5016x64xf32, #tpu.memory_space<vmem_shared>>
      tpu.enqueue_indirect_dma source(%dma_start3A_19 : memref<128x64xf32, #tpu.memory_space<vmem>>) target(%dma_start3A_25 : memref<5016x64xf32, #tpu.memory_space<vmem_shared>>) offsets(%dma_start3A_22 : memref<128xi32, #tpu.memory_space<vmem>>) semaphore(%run_scoped3A_17 : memref<!tpu.dma_semaphore, #tpu.memory_space<semaphore_mem>>) {add = true}
      %dma_wait3A = arith.constant 512 : i32
      %dma_wait3A_26 = arith.constant 0 : i32
      %dma_wait3A_27 = tpu.memref_slice %arg7[%dma_wait3A, %dma_wait3A_26] : memref<640x64xf32, #tpu.memory_space<vmem>> -> memref<128x64xf32, #tpu.memory_space<vmem>>
      %dma_wait3A_28 = arith.constant 0 : i32
      %dma_wait3A_29 = tpu.memref_slice %arg6[%run_scoped3A_10, %dma_wait3A_28] : memref<5x128xi32, #tpu.memory_space<vmem>> -> memref<1x128xi32, #tpu.memory_space<vmem>>
      %dma_wait3A_30 = tpu.memref_squeeze %dma_wait3A_29 : memref<1x128xi32, #tpu.memory_space<vmem>> -> memref<128xi32, #tpu.memory_space<vmem>>
      %dma_wait3A_31 = arith.constant 0 : i32
      %dma_wait3A_32 = arith.constant 0 : i32
      %dma_wait3A_33 = tpu.memref_slice %arg8[%dma_wait3A_31, %dma_wait3A_32] : memref<5016x64xf32, #tpu.memory_space<vmem_shared>> -> memref<5016x64xf32, #tpu.memory_space<vmem_shared>>
      tpu.wait_indirect_dma semaphore(%run_scoped3A_17 : memref<!tpu.dma_semaphore, #tpu.memory_space<semaphore_mem>>) src(%dma_wait3A_27 : memref<128x64xf32, #tpu.memory_space<vmem>>) dst(%dma_wait3A_33 : memref<5016x64xf32, #tpu.memory_space<vmem_shared>>)
      tpu.yield
    }) : () -> ()
    %barrier3A_11 = arith.constant 0 : index
    tpu.barrier barrier_id(%barrier3A_11)
    %eq3A_12 = arith.constant 0 : i32
    %eq3A_13 = arith.cmpi eq, %arg1, %eq3A_12 : i32
    %convert_element_type3A_14 = arith.extui %eq3A_13 : i1 to i32
    %cond3A_15 = arith.constant 0 : i32
    %cond3A_16 = arith.cmpi ne, %convert_element_type3A_14, %cond3A_15 : i32
    scf.if %cond3A_16 {
      "tpu.region"() ({
        %run_scoped3A_17 = tpu.sem_alloc : memref<!tpu.dma_semaphore, #tpu.memory_space<semaphore_mem>>
        %dma_start3A = arith.constant 0 : i32
        %dma_start3A_18 = arith.constant 0 : i32
        %dma_start3A_19 = tpu.memref_slice %arg5[%arg0, %dma_start3A, %dma_start3A_18] : memref<2x5016x64xf32, #tpu.memory_space<hbm>> -> memref<1x5016x64xf32, #tpu.memory_space<hbm>>
        %dma_start3A_20 = tpu.memref_squeeze %dma_start3A_19 : memref<1x5016x64xf32, #tpu.memory_space<hbm>> -> memref<5016x64xf32, #tpu.memory_space<hbm>>
        tpu.enqueue_dma source(%arg8 : memref<5016x64xf32, #tpu.memory_space<vmem_shared>>) target(%dma_start3A_20 : memref<5016x64xf32, #tpu.memory_space<hbm>>) target_semaphore(%run_scoped3A_17 : memref<!tpu.dma_semaphore, #tpu.memory_space<semaphore_mem>>)
        %dma_wait3A = arith.constant 0 : i32
        %dma_wait3A_21 = arith.constant 0 : i32
        %dma_wait3A_22 = tpu.memref_slice %arg5[%arg0, %dma_wait3A, %dma_wait3A_21] : memref<2x5016x64xf32, #tpu.memory_space<hbm>> -> memref<1x5016x64xf32, #tpu.memory_space<hbm>>
        %dma_wait3A_23 = tpu.memref_squeeze %dma_wait3A_22 : memref<1x5016x64xf32, #tpu.memory_space<hbm>> -> memref<5016x64xf32, #tpu.memory_space<hbm>>
        tpu.wait_dma2 semaphore(%run_scoped3A_17 : memref<!tpu.dma_semaphore, #tpu.memory_space<semaphore_mem>>) src(%arg8 : memref<5016x64xf32, #tpu.memory_space<vmem_shared>>) dst(%dma_wait3A_23 : memref<5016x64xf32, #tpu.memory_space<hbm>>)
        tpu.yield
      }) : () -> ()
    } else {
    }
    return
  }
}

#map = affine_map<(d0, d1) -> (0, 0)>
#map1 = affine_map<(d0, d1) -> (0, 0, 0)>
module attributes {stable_mosaic.version = 14 : i64} {
  func.func @k(%arg0: i32, %arg1: i32, %arg2: memref<5000x64xf32, #tpu.memory_space<hbm>>, %arg3: memref<32x10x128xi32, #tpu.memory_space<hbm>>, %arg4: memref<40960x64xf32, #tpu.memory_space<hbm>>, %arg5: memref<10x128xi32, #tpu.memory_space<vmem>>, %arg6: memref<1280x64xf32, #tpu.memory_space<vmem>>, %arg7: memref<5000x64xf32, #tpu.memory_space<vmem_shared>>, %arg8: memref<!tpu.dma_semaphore, #tpu.memory_space<semaphore_mem>>) attributes {dimension_semantics = [#tpu.dimension_semantics<core_parallel>, #tpu.dimension_semantics<subcore_parallel>], iteration_bounds = array<i64: 2, 16>, scalar_prefetch = 0 : i64, scratch_operands = 4 : i64, tpu.core_type = #tpu.core_type<sc_vector_subcore>, window_params = [{transform_indices = #map}, {transform_indices = #map1}, {transform_indices = #map}]} {
    %mul3A = arith.constant 2 : i32
    %mul3A_0 = arith.muli %arg1, %mul3A : i32
    %add3A = arith.addi %mul3A_0, %arg0 : i32
    %eq3A = arith.constant 0 : i32
    %eq3A_1 = arith.cmpi eq, %arg1, %eq3A : i32
    %convert_element_type3A = arith.extui %eq3A_1 : i1 to i32
    %cond3A = arith.constant 0 : i32
    %cond3A_2 = arith.cmpi ne, %convert_element_type3A, %cond3A : i32
    scf.if %cond3A_2 {
      "tpu.region"() ({
        %run_scoped3A = tpu.sem_alloc : memref<!tpu.dma_semaphore, #tpu.memory_space<semaphore_mem>>
        tpu.enqueue_dma source(%arg2 : memref<5000x64xf32, #tpu.memory_space<hbm>>) target(%arg7 : memref<5000x64xf32, #tpu.memory_space<vmem_shared>>) target_semaphore(%run_scoped3A : memref<!tpu.dma_semaphore, #tpu.memory_space<semaphore_mem>>)
        tpu.wait_dma2 semaphore(%run_scoped3A : memref<!tpu.dma_semaphore, #tpu.memory_space<semaphore_mem>>) src(%arg2 : memref<5000x64xf32, #tpu.memory_space<hbm>>) dst(%arg7 : memref<5000x64xf32, #tpu.memory_space<vmem_shared>>)
        tpu.yield
      }) : () -> ()
    } else {
    }
    "tpu.region"() ({
      %run_scoped3A = tpu.sem_alloc : memref<!tpu.dma_semaphore, #tpu.memory_space<semaphore_mem>>
      %dma_start3A_205 = arith.constant 0 : i32
      %dma_start3A_206 = arith.constant 0 : i32
      %dma_start3A_207 = tpu.memref_slice %arg3[%add3A, %dma_start3A_205, %dma_start3A_206] : memref<32x10x128xi32, #tpu.memory_space<hbm>> -> memref<1x10x128xi32, #tpu.memory_space<hbm>>
      %dma_start3A_208 = tpu.memref_squeeze %dma_start3A_207 : memref<1x10x128xi32, #tpu.memory_space<hbm>> -> memref<10x128xi32, #tpu.memory_space<hbm>>
      %dma_start3A_209 = arith.constant 0 : i32
      %dma_start3A_210 = arith.constant 0 : i32
      %dma_start3A_211 = tpu.memref_slice %arg3[%add3A, %dma_start3A_209, %dma_start3A_210] : memref<32x10x128xi32, #tpu.memory_space<hbm>> -> memref<1x10x128xi32, #tpu.memory_space<hbm>>
      %dma_start3A_212 = tpu.memref_squeeze %dma_start3A_211 : memref<1x10x128xi32, #tpu.memory_space<hbm>> -> memref<10x128xi32, #tpu.memory_space<hbm>>
      tpu.enqueue_dma source(%dma_start3A_212 : memref<10x128xi32, #tpu.memory_space<hbm>>) target(%arg5 : memref<10x128xi32, #tpu.memory_space<vmem>>) target_semaphore(%run_scoped3A : memref<!tpu.dma_semaphore, #tpu.memory_space<semaphore_mem>>)
      %dma_wait3A_213 = arith.constant 0 : i32
      %dma_wait3A_214 = arith.constant 0 : i32
      %dma_wait3A_215 = tpu.memref_slice %arg3[%add3A, %dma_wait3A_213, %dma_wait3A_214] : memref<32x10x128xi32, #tpu.memory_space<hbm>> -> memref<1x10x128xi32, #tpu.memory_space<hbm>>
      %dma_wait3A_216 = tpu.memref_squeeze %dma_wait3A_215 : memref<1x10x128xi32, #tpu.memory_space<hbm>> -> memref<10x128xi32, #tpu.memory_space<hbm>>
      %dma_wait3A_217 = arith.constant 0 : i32
      %dma_wait3A_218 = arith.constant 0 : i32
      %dma_wait3A_219 = tpu.memref_slice %arg3[%add3A, %dma_wait3A_217, %dma_wait3A_218] : memref<32x10x128xi32, #tpu.memory_space<hbm>> -> memref<1x10x128xi32, #tpu.memory_space<hbm>>
      %dma_wait3A_220 = tpu.memref_squeeze %dma_wait3A_219 : memref<1x10x128xi32, #tpu.memory_space<hbm>> -> memref<10x128xi32, #tpu.memory_space<hbm>>
      tpu.wait_dma2 semaphore(%run_scoped3A : memref<!tpu.dma_semaphore, #tpu.memory_space<semaphore_mem>>) src(%dma_wait3A_220 : memref<10x128xi32, #tpu.memory_space<hbm>>) dst(%arg5 : memref<10x128xi32, #tpu.memory_space<vmem>>)
      tpu.yield
    }) : () -> ()
    %barrier3A = arith.constant 0 : index
    tpu.barrier barrier_id(%barrier3A)
    %dma_start3A = arith.constant 0 : i32
    %dma_start3A_3 = arith.constant 0 : i32
    %dma_start3A_4 = arith.constant 0 : i32
    %dma_start3A_5 = tpu.memref_slice %arg6[%dma_start3A_3, %dma_start3A_4] : memref<1280x64xf32, #tpu.memory_space<vmem>> -> memref<128x64xf32, #tpu.memory_space<vmem>>
    %dma_start3A_6 = arith.constant 0 : i32
    %dma_start3A_7 = tpu.memref_slice %arg5[%dma_start3A, %dma_start3A_6] : memref<10x128xi32, #tpu.memory_space<vmem>> -> memref<1x128xi32, #tpu.memory_space<vmem>>
    %dma_start3A_8 = tpu.memref_squeeze %dma_start3A_7 : memref<1x128xi32, #tpu.memory_space<vmem>> -> memref<128xi32, #tpu.memory_space<vmem>>
    %dma_start3A_9 = arith.constant 0 : i32
    %dma_start3A_10 = arith.constant 0 : i32
    %dma_start3A_11 = tpu.memref_slice %arg7[%dma_start3A_9, %dma_start3A_10] : memref<5000x64xf32, #tpu.memory_space<vmem_shared>> -> memref<5000x64xf32, #tpu.memory_space<vmem_shared>>
    tpu.enqueue_indirect_dma source(%dma_start3A_11 : memref<5000x64xf32, #tpu.memory_space<vmem_shared>>) target(%dma_start3A_5 : memref<128x64xf32, #tpu.memory_space<vmem>>) offsets(%dma_start3A_8 : memref<128xi32, #tpu.memory_space<vmem>>) semaphore(%arg8 : memref<!tpu.dma_semaphore, #tpu.memory_space<semaphore_mem>>)
    %dma_start3A_12 = arith.constant 1 : i32
    %dma_start3A_13 = arith.constant 128 : i32
    %dma_start3A_14 = arith.constant 0 : i32
    %dma_start3A_15 = tpu.memref_slice %arg6[%dma_start3A_13, %dma_start3A_14] : memref<1280x64xf32, #tpu.memory_space<vmem>> -> memref<128x64xf32, #tpu.memory_space<vmem>>
    %dma_start3A_16 = arith.constant 0 : i32
    %dma_start3A_17 = tpu.memref_slice %arg5[%dma_start3A_12, %dma_start3A_16] : memref<10x128xi32, #tpu.memory_space<vmem>> -> memref<1x128xi32, #tpu.memory_space<vmem>>
    %dma_start3A_18 = tpu.memref_squeeze %dma_start3A_17 : memref<1x128xi32, #tpu.memory_space<vmem>> -> memref<128xi32, #tpu.memory_space<vmem>>
    %dma_start3A_19 = arith.constant 0 : i32
    %dma_start3A_20 = arith.constant 0 : i32
    %dma_start3A_21 = tpu.memref_slice %arg7[%dma_start3A_19, %dma_start3A_20] : memref<5000x64xf32, #tpu.memory_space<vmem_shared>> -> memref<5000x64xf32, #tpu.memory_space<vmem_shared>>
    tpu.enqueue_indirect_dma source(%dma_start3A_21 : memref<5000x64xf32, #tpu.memory_space<vmem_shared>>) target(%dma_start3A_15 : memref<128x64xf32, #tpu.memory_space<vmem>>) offsets(%dma_start3A_18 : memref<128xi32, #tpu.memory_space<vmem>>) semaphore(%arg8 : memref<!tpu.dma_semaphore, #tpu.memory_space<semaphore_mem>>)
    %dma_start3A_22 = arith.constant 2 : i32
    %dma_start3A_23 = arith.constant 256 : i32
    %dma_start3A_24 = arith.constant 0 : i32
    %dma_start3A_25 = tpu.memref_slice %arg6[%dma_start3A_23, %dma_start3A_24] : memref<1280x64xf32, #tpu.memory_space<vmem>> -> memref<128x64xf32, #tpu.memory_space<vmem>>
    %dma_start3A_26 = arith.constant 0 : i32
    %dma_start3A_27 = tpu.memref_slice %arg5[%dma_start3A_22, %dma_start3A_26] : memref<10x128xi32, #tpu.memory_space<vmem>> -> memref<1x128xi32, #tpu.memory_space<vmem>>
    %dma_start3A_28 = tpu.memref_squeeze %dma_start3A_27 : memref<1x128xi32, #tpu.memory_space<vmem>> -> memref<128xi32, #tpu.memory_space<vmem>>
    %dma_start3A_29 = arith.constant 0 : i32
    %dma_start3A_30 = arith.constant 0 : i32
    %dma_start3A_31 = tpu.memref_slice %arg7[%dma_start3A_29, %dma_start3A_30] : memref<5000x64xf32, #tpu.memory_space<vmem_shared>> -> memref<5000x64xf32, #tpu.memory_space<vmem_shared>>
    tpu.enqueue_indirect_dma source(%dma_start3A_31 : memref<5000x64xf32, #tpu.memory_space<vmem_shared>>) target(%dma_start3A_25 : memref<128x64xf32, #tpu.memory_space<vmem>>) offsets(%dma_start3A_28 : memref<128xi32, #tpu.memory_space<vmem>>) semaphore(%arg8 : memref<!tpu.dma_semaphore, #tpu.memory_space<semaphore_mem>>)
    %dma_start3A_32 = arith.constant 3 : i32
    %dma_start3A_33 = arith.constant 384 : i32
    %dma_start3A_34 = arith.constant 0 : i32
    %dma_start3A_35 = tpu.memref_slice %arg6[%dma_start3A_33, %dma_start3A_34] : memref<1280x64xf32, #tpu.memory_space<vmem>> -> memref<128x64xf32, #tpu.memory_space<vmem>>
    %dma_start3A_36 = arith.constant 0 : i32
    %dma_start3A_37 = tpu.memref_slice %arg5[%dma_start3A_32, %dma_start3A_36] : memref<10x128xi32, #tpu.memory_space<vmem>> -> memref<1x128xi32, #tpu.memory_space<vmem>>
    %dma_start3A_38 = tpu.memref_squeeze %dma_start3A_37 : memref<1x128xi32, #tpu.memory_space<vmem>> -> memref<128xi32, #tpu.memory_space<vmem>>
    %dma_start3A_39 = arith.constant 0 : i32
    %dma_start3A_40 = arith.constant 0 : i32
    %dma_start3A_41 = tpu.memref_slice %arg7[%dma_start3A_39, %dma_start3A_40] : memref<5000x64xf32, #tpu.memory_space<vmem_shared>> -> memref<5000x64xf32, #tpu.memory_space<vmem_shared>>
    tpu.enqueue_indirect_dma source(%dma_start3A_41 : memref<5000x64xf32, #tpu.memory_space<vmem_shared>>) target(%dma_start3A_35 : memref<128x64xf32, #tpu.memory_space<vmem>>) offsets(%dma_start3A_38 : memref<128xi32, #tpu.memory_space<vmem>>) semaphore(%arg8 : memref<!tpu.dma_semaphore, #tpu.memory_space<semaphore_mem>>)
    %dma_start3A_42 = arith.constant 4 : i32
    %dma_start3A_43 = arith.constant 512 : i32
    %dma_start3A_44 = arith.constant 0 : i32
    %dma_start3A_45 = tpu.memref_slice %arg6[%dma_start3A_43, %dma_start3A_44] : memref<1280x64xf32, #tpu.memory_space<vmem>> -> memref<128x64xf32, #tpu.memory_space<vmem>>
    %dma_start3A_46 = arith.constant 0 : i32
    %dma_start3A_47 = tpu.memref_slice %arg5[%dma_start3A_42, %dma_start3A_46] : memref<10x128xi32, #tpu.memory_space<vmem>> -> memref<1x128xi32, #tpu.memory_space<vmem>>
    %dma_start3A_48 = tpu.memref_squeeze %dma_start3A_47 : memref<1x128xi32, #tpu.memory_space<vmem>> -> memref<128xi32, #tpu.memory_space<vmem>>
    %dma_start3A_49 = arith.constant 0 : i32
    %dma_start3A_50 = arith.constant 0 : i32
    %dma_start3A_51 = tpu.memref_slice %arg7[%dma_start3A_49, %dma_start3A_50] : memref<5000x64xf32, #tpu.memory_space<vmem_shared>> -> memref<5000x64xf32, #tpu.memory_space<vmem_shared>>
    tpu.enqueue_indirect_dma source(%dma_start3A_51 : memref<5000x64xf32, #tpu.memory_space<vmem_shared>>) target(%dma_start3A_45 : memref<128x64xf32, #tpu.memory_space<vmem>>) offsets(%dma_start3A_48 : memref<128xi32, #tpu.memory_space<vmem>>) semaphore(%arg8 : memref<!tpu.dma_semaphore, #tpu.memory_space<semaphore_mem>>)
    %dma_start3A_52 = arith.constant 5 : i32
    %dma_start3A_53 = arith.constant 640 : i32
    %dma_start3A_54 = arith.constant 0 : i32
    %dma_start3A_55 = tpu.memref_slice %arg6[%dma_start3A_53, %dma_start3A_54] : memref<1280x64xf32, #tpu.memory_space<vmem>> -> memref<128x64xf32, #tpu.memory_space<vmem>>
    %dma_start3A_56 = arith.constant 0 : i32
    %dma_start3A_57 = tpu.memref_slice %arg5[%dma_start3A_52, %dma_start3A_56] : memref<10x128xi32, #tpu.memory_space<vmem>> -> memref<1x128xi32, #tpu.memory_space<vmem>>
    %dma_start3A_58 = tpu.memref_squeeze %dma_start3A_57 : memref<1x128xi32, #tpu.memory_space<vmem>> -> memref<128xi32, #tpu.memory_space<vmem>>
    %dma_start3A_59 = arith.constant 0 : i32
    %dma_start3A_60 = arith.constant 0 : i32
    %dma_start3A_61 = tpu.memref_slice %arg7[%dma_start3A_59, %dma_start3A_60] : memref<5000x64xf32, #tpu.memory_space<vmem_shared>> -> memref<5000x64xf32, #tpu.memory_space<vmem_shared>>
    tpu.enqueue_indirect_dma source(%dma_start3A_61 : memref<5000x64xf32, #tpu.memory_space<vmem_shared>>) target(%dma_start3A_55 : memref<128x64xf32, #tpu.memory_space<vmem>>) offsets(%dma_start3A_58 : memref<128xi32, #tpu.memory_space<vmem>>) semaphore(%arg8 : memref<!tpu.dma_semaphore, #tpu.memory_space<semaphore_mem>>)
    %dma_start3A_62 = arith.constant 6 : i32
    %dma_start3A_63 = arith.constant 768 : i32
    %dma_start3A_64 = arith.constant 0 : i32
    %dma_start3A_65 = tpu.memref_slice %arg6[%dma_start3A_63, %dma_start3A_64] : memref<1280x64xf32, #tpu.memory_space<vmem>> -> memref<128x64xf32, #tpu.memory_space<vmem>>
    %dma_start3A_66 = arith.constant 0 : i32
    %dma_start3A_67 = tpu.memref_slice %arg5[%dma_start3A_62, %dma_start3A_66] : memref<10x128xi32, #tpu.memory_space<vmem>> -> memref<1x128xi32, #tpu.memory_space<vmem>>
    %dma_start3A_68 = tpu.memref_squeeze %dma_start3A_67 : memref<1x128xi32, #tpu.memory_space<vmem>> -> memref<128xi32, #tpu.memory_space<vmem>>
    %dma_start3A_69 = arith.constant 0 : i32
    %dma_start3A_70 = arith.constant 0 : i32
    %dma_start3A_71 = tpu.memref_slice %arg7[%dma_start3A_69, %dma_start3A_70] : memref<5000x64xf32, #tpu.memory_space<vmem_shared>> -> memref<5000x64xf32, #tpu.memory_space<vmem_shared>>
    tpu.enqueue_indirect_dma source(%dma_start3A_71 : memref<5000x64xf32, #tpu.memory_space<vmem_shared>>) target(%dma_start3A_65 : memref<128x64xf32, #tpu.memory_space<vmem>>) offsets(%dma_start3A_68 : memref<128xi32, #tpu.memory_space<vmem>>) semaphore(%arg8 : memref<!tpu.dma_semaphore, #tpu.memory_space<semaphore_mem>>)
    %dma_start3A_72 = arith.constant 7 : i32
    %dma_start3A_73 = arith.constant 896 : i32
    %dma_start3A_74 = arith.constant 0 : i32
    %dma_start3A_75 = tpu.memref_slice %arg6[%dma_start3A_73, %dma_start3A_74] : memref<1280x64xf32, #tpu.memory_space<vmem>> -> memref<128x64xf32, #tpu.memory_space<vmem>>
    %dma_start3A_76 = arith.constant 0 : i32
    %dma_start3A_77 = tpu.memref_slice %arg5[%dma_start3A_72, %dma_start3A_76] : memref<10x128xi32, #tpu.memory_space<vmem>> -> memref<1x128xi32, #tpu.memory_space<vmem>>
    %dma_start3A_78 = tpu.memref_squeeze %dma_start3A_77 : memref<1x128xi32, #tpu.memory_space<vmem>> -> memref<128xi32, #tpu.memory_space<vmem>>
    %dma_start3A_79 = arith.constant 0 : i32
    %dma_start3A_80 = arith.constant 0 : i32
    %dma_start3A_81 = tpu.memref_slice %arg7[%dma_start3A_79, %dma_start3A_80] : memref<5000x64xf32, #tpu.memory_space<vmem_shared>> -> memref<5000x64xf32, #tpu.memory_space<vmem_shared>>
    tpu.enqueue_indirect_dma source(%dma_start3A_81 : memref<5000x64xf32, #tpu.memory_space<vmem_shared>>) target(%dma_start3A_75 : memref<128x64xf32, #tpu.memory_space<vmem>>) offsets(%dma_start3A_78 : memref<128xi32, #tpu.memory_space<vmem>>) semaphore(%arg8 : memref<!tpu.dma_semaphore, #tpu.memory_space<semaphore_mem>>)
    %dma_start3A_82 = arith.constant 8 : i32
    %dma_start3A_83 = arith.constant 1024 : i32
    %dma_start3A_84 = arith.constant 0 : i32
    %dma_start3A_85 = tpu.memref_slice %arg6[%dma_start3A_83, %dma_start3A_84] : memref<1280x64xf32, #tpu.memory_space<vmem>> -> memref<128x64xf32, #tpu.memory_space<vmem>>
    %dma_start3A_86 = arith.constant 0 : i32
    %dma_start3A_87 = tpu.memref_slice %arg5[%dma_start3A_82, %dma_start3A_86] : memref<10x128xi32, #tpu.memory_space<vmem>> -> memref<1x128xi32, #tpu.memory_space<vmem>>
    %dma_start3A_88 = tpu.memref_squeeze %dma_start3A_87 : memref<1x128xi32, #tpu.memory_space<vmem>> -> memref<128xi32, #tpu.memory_space<vmem>>
    %dma_start3A_89 = arith.constant 0 : i32
    %dma_start3A_90 = arith.constant 0 : i32
    %dma_start3A_91 = tpu.memref_slice %arg7[%dma_start3A_89, %dma_start3A_90] : memref<5000x64xf32, #tpu.memory_space<vmem_shared>> -> memref<5000x64xf32, #tpu.memory_space<vmem_shared>>
    tpu.enqueue_indirect_dma source(%dma_start3A_91 : memref<5000x64xf32, #tpu.memory_space<vmem_shared>>) target(%dma_start3A_85 : memref<128x64xf32, #tpu.memory_space<vmem>>) offsets(%dma_start3A_88 : memref<128xi32, #tpu.memory_space<vmem>>) semaphore(%arg8 : memref<!tpu.dma_semaphore, #tpu.memory_space<semaphore_mem>>)
    %dma_start3A_92 = arith.constant 9 : i32
    %dma_start3A_93 = arith.constant 1152 : i32
    %dma_start3A_94 = arith.constant 0 : i32
    %dma_start3A_95 = tpu.memref_slice %arg6[%dma_start3A_93, %dma_start3A_94] : memref<1280x64xf32, #tpu.memory_space<vmem>> -> memref<128x64xf32, #tpu.memory_space<vmem>>
    %dma_start3A_96 = arith.constant 0 : i32
    %dma_start3A_97 = tpu.memref_slice %arg5[%dma_start3A_92, %dma_start3A_96] : memref<10x128xi32, #tpu.memory_space<vmem>> -> memref<1x128xi32, #tpu.memory_space<vmem>>
    %dma_start3A_98 = tpu.memref_squeeze %dma_start3A_97 : memref<1x128xi32, #tpu.memory_space<vmem>> -> memref<128xi32, #tpu.memory_space<vmem>>
    %dma_start3A_99 = arith.constant 0 : i32
    %dma_start3A_100 = arith.constant 0 : i32
    %dma_start3A_101 = tpu.memref_slice %arg7[%dma_start3A_99, %dma_start3A_100] : memref<5000x64xf32, #tpu.memory_space<vmem_shared>> -> memref<5000x64xf32, #tpu.memory_space<vmem_shared>>
    tpu.enqueue_indirect_dma source(%dma_start3A_101 : memref<5000x64xf32, #tpu.memory_space<vmem_shared>>) target(%dma_start3A_95 : memref<128x64xf32, #tpu.memory_space<vmem>>) offsets(%dma_start3A_98 : memref<128xi32, #tpu.memory_space<vmem>>) semaphore(%arg8 : memref<!tpu.dma_semaphore, #tpu.memory_space<semaphore_mem>>)
    %dma_wait3A = arith.constant 0 : i32
    %dma_wait3A_102 = arith.constant 0 : i32
    %dma_wait3A_103 = arith.constant 0 : i32
    %dma_wait3A_104 = tpu.memref_slice %arg6[%dma_wait3A_102, %dma_wait3A_103] : memref<1280x64xf32, #tpu.memory_space<vmem>> -> memref<128x64xf32, #tpu.memory_space<vmem>>
    %dma_wait3A_105 = arith.constant 0 : i32
    %dma_wait3A_106 = tpu.memref_slice %arg5[%dma_wait3A, %dma_wait3A_105] : memref<10x128xi32, #tpu.memory_space<vmem>> -> memref<1x128xi32, #tpu.memory_space<vmem>>
    %dma_wait3A_107 = tpu.memref_squeeze %dma_wait3A_106 : memref<1x128xi32, #tpu.memory_space<vmem>> -> memref<128xi32, #tpu.memory_space<vmem>>
    %dma_wait3A_108 = arith.constant 0 : i32
    %dma_wait3A_109 = arith.constant 0 : i32
    %dma_wait3A_110 = tpu.memref_slice %arg7[%dma_wait3A_108, %dma_wait3A_109] : memref<5000x64xf32, #tpu.memory_space<vmem_shared>> -> memref<5000x64xf32, #tpu.memory_space<vmem_shared>>
    tpu.wait_indirect_dma semaphore(%arg8 : memref<!tpu.dma_semaphore, #tpu.memory_space<semaphore_mem>>) src(%dma_wait3A_110 : memref<5000x64xf32, #tpu.memory_space<vmem_shared>>) dst(%dma_wait3A_104 : memref<128x64xf32, #tpu.memory_space<vmem>>)
    %dma_wait3A_111 = arith.constant 1 : i32
    %dma_wait3A_112 = arith.constant 128 : i32
    %dma_wait3A_113 = arith.constant 0 : i32
    %dma_wait3A_114 = tpu.memref_slice %arg6[%dma_wait3A_112, %dma_wait3A_113] : memref<1280x64xf32, #tpu.memory_space<vmem>> -> memref<128x64xf32, #tpu.memory_space<vmem>>
    %dma_wait3A_115 = arith.constant 0 : i32
    %dma_wait3A_116 = tpu.memref_slice %arg5[%dma_wait3A_111, %dma_wait3A_115] : memref<10x128xi32, #tpu.memory_space<vmem>> -> memref<1x128xi32, #tpu.memory_space<vmem>>
    %dma_wait3A_117 = tpu.memref_squeeze %dma_wait3A_116 : memref<1x128xi32, #tpu.memory_space<vmem>> -> memref<128xi32, #tpu.memory_space<vmem>>
    %dma_wait3A_118 = arith.constant 0 : i32
    %dma_wait3A_119 = arith.constant 0 : i32
    %dma_wait3A_120 = tpu.memref_slice %arg7[%dma_wait3A_118, %dma_wait3A_119] : memref<5000x64xf32, #tpu.memory_space<vmem_shared>> -> memref<5000x64xf32, #tpu.memory_space<vmem_shared>>
    tpu.wait_indirect_dma semaphore(%arg8 : memref<!tpu.dma_semaphore, #tpu.memory_space<semaphore_mem>>) src(%dma_wait3A_120 : memref<5000x64xf32, #tpu.memory_space<vmem_shared>>) dst(%dma_wait3A_114 : memref<128x64xf32, #tpu.memory_space<vmem>>)
    %dma_wait3A_121 = arith.constant 2 : i32
    %dma_wait3A_122 = arith.constant 256 : i32
    %dma_wait3A_123 = arith.constant 0 : i32
    %dma_wait3A_124 = tpu.memref_slice %arg6[%dma_wait3A_122, %dma_wait3A_123] : memref<1280x64xf32, #tpu.memory_space<vmem>> -> memref<128x64xf32, #tpu.memory_space<vmem>>
    %dma_wait3A_125 = arith.constant 0 : i32
    %dma_wait3A_126 = tpu.memref_slice %arg5[%dma_wait3A_121, %dma_wait3A_125] : memref<10x128xi32, #tpu.memory_space<vmem>> -> memref<1x128xi32, #tpu.memory_space<vmem>>
    %dma_wait3A_127 = tpu.memref_squeeze %dma_wait3A_126 : memref<1x128xi32, #tpu.memory_space<vmem>> -> memref<128xi32, #tpu.memory_space<vmem>>
    %dma_wait3A_128 = arith.constant 0 : i32
    %dma_wait3A_129 = arith.constant 0 : i32
    %dma_wait3A_130 = tpu.memref_slice %arg7[%dma_wait3A_128, %dma_wait3A_129] : memref<5000x64xf32, #tpu.memory_space<vmem_shared>> -> memref<5000x64xf32, #tpu.memory_space<vmem_shared>>
    tpu.wait_indirect_dma semaphore(%arg8 : memref<!tpu.dma_semaphore, #tpu.memory_space<semaphore_mem>>) src(%dma_wait3A_130 : memref<5000x64xf32, #tpu.memory_space<vmem_shared>>) dst(%dma_wait3A_124 : memref<128x64xf32, #tpu.memory_space<vmem>>)
    %dma_wait3A_131 = arith.constant 3 : i32
    %dma_wait3A_132 = arith.constant 384 : i32
    %dma_wait3A_133 = arith.constant 0 : i32
    %dma_wait3A_134 = tpu.memref_slice %arg6[%dma_wait3A_132, %dma_wait3A_133] : memref<1280x64xf32, #tpu.memory_space<vmem>> -> memref<128x64xf32, #tpu.memory_space<vmem>>
    %dma_wait3A_135 = arith.constant 0 : i32
    %dma_wait3A_136 = tpu.memref_slice %arg5[%dma_wait3A_131, %dma_wait3A_135] : memref<10x128xi32, #tpu.memory_space<vmem>> -> memref<1x128xi32, #tpu.memory_space<vmem>>
    %dma_wait3A_137 = tpu.memref_squeeze %dma_wait3A_136 : memref<1x128xi32, #tpu.memory_space<vmem>> -> memref<128xi32, #tpu.memory_space<vmem>>
    %dma_wait3A_138 = arith.constant 0 : i32
    %dma_wait3A_139 = arith.constant 0 : i32
    %dma_wait3A_140 = tpu.memref_slice %arg7[%dma_wait3A_138, %dma_wait3A_139] : memref<5000x64xf32, #tpu.memory_space<vmem_shared>> -> memref<5000x64xf32, #tpu.memory_space<vmem_shared>>
    tpu.wait_indirect_dma semaphore(%arg8 : memref<!tpu.dma_semaphore, #tpu.memory_space<semaphore_mem>>) src(%dma_wait3A_140 : memref<5000x64xf32, #tpu.memory_space<vmem_shared>>) dst(%dma_wait3A_134 : memref<128x64xf32, #tpu.memory_space<vmem>>)
    %dma_wait3A_141 = arith.constant 4 : i32
    %dma_wait3A_142 = arith.constant 512 : i32
    %dma_wait3A_143 = arith.constant 0 : i32
    %dma_wait3A_144 = tpu.memref_slice %arg6[%dma_wait3A_142, %dma_wait3A_143] : memref<1280x64xf32, #tpu.memory_space<vmem>> -> memref<128x64xf32, #tpu.memory_space<vmem>>
    %dma_wait3A_145 = arith.constant 0 : i32
    %dma_wait3A_146 = tpu.memref_slice %arg5[%dma_wait3A_141, %dma_wait3A_145] : memref<10x128xi32, #tpu.memory_space<vmem>> -> memref<1x128xi32, #tpu.memory_space<vmem>>
    %dma_wait3A_147 = tpu.memref_squeeze %dma_wait3A_146 : memref<1x128xi32, #tpu.memory_space<vmem>> -> memref<128xi32, #tpu.memory_space<vmem>>
    %dma_wait3A_148 = arith.constant 0 : i32
    %dma_wait3A_149 = arith.constant 0 : i32
    %dma_wait3A_150 = tpu.memref_slice %arg7[%dma_wait3A_148, %dma_wait3A_149] : memref<5000x64xf32, #tpu.memory_space<vmem_shared>> -> memref<5000x64xf32, #tpu.memory_space<vmem_shared>>
    tpu.wait_indirect_dma semaphore(%arg8 : memref<!tpu.dma_semaphore, #tpu.memory_space<semaphore_mem>>) src(%dma_wait3A_150 : memref<5000x64xf32, #tpu.memory_space<vmem_shared>>) dst(%dma_wait3A_144 : memref<128x64xf32, #tpu.memory_space<vmem>>)
    %dma_wait3A_151 = arith.constant 5 : i32
    %dma_wait3A_152 = arith.constant 640 : i32
    %dma_wait3A_153 = arith.constant 0 : i32
    %dma_wait3A_154 = tpu.memref_slice %arg6[%dma_wait3A_152, %dma_wait3A_153] : memref<1280x64xf32, #tpu.memory_space<vmem>> -> memref<128x64xf32, #tpu.memory_space<vmem>>
    %dma_wait3A_155 = arith.constant 0 : i32
    %dma_wait3A_156 = tpu.memref_slice %arg5[%dma_wait3A_151, %dma_wait3A_155] : memref<10x128xi32, #tpu.memory_space<vmem>> -> memref<1x128xi32, #tpu.memory_space<vmem>>
    %dma_wait3A_157 = tpu.memref_squeeze %dma_wait3A_156 : memref<1x128xi32, #tpu.memory_space<vmem>> -> memref<128xi32, #tpu.memory_space<vmem>>
    %dma_wait3A_158 = arith.constant 0 : i32
    %dma_wait3A_159 = arith.constant 0 : i32
    %dma_wait3A_160 = tpu.memref_slice %arg7[%dma_wait3A_158, %dma_wait3A_159] : memref<5000x64xf32, #tpu.memory_space<vmem_shared>> -> memref<5000x64xf32, #tpu.memory_space<vmem_shared>>
    tpu.wait_indirect_dma semaphore(%arg8 : memref<!tpu.dma_semaphore, #tpu.memory_space<semaphore_mem>>) src(%dma_wait3A_160 : memref<5000x64xf32, #tpu.memory_space<vmem_shared>>) dst(%dma_wait3A_154 : memref<128x64xf32, #tpu.memory_space<vmem>>)
    %dma_wait3A_161 = arith.constant 6 : i32
    %dma_wait3A_162 = arith.constant 768 : i32
    %dma_wait3A_163 = arith.constant 0 : i32
    %dma_wait3A_164 = tpu.memref_slice %arg6[%dma_wait3A_162, %dma_wait3A_163] : memref<1280x64xf32, #tpu.memory_space<vmem>> -> memref<128x64xf32, #tpu.memory_space<vmem>>
    %dma_wait3A_165 = arith.constant 0 : i32
    %dma_wait3A_166 = tpu.memref_slice %arg5[%dma_wait3A_161, %dma_wait3A_165] : memref<10x128xi32, #tpu.memory_space<vmem>> -> memref<1x128xi32, #tpu.memory_space<vmem>>
    %dma_wait3A_167 = tpu.memref_squeeze %dma_wait3A_166 : memref<1x128xi32, #tpu.memory_space<vmem>> -> memref<128xi32, #tpu.memory_space<vmem>>
    %dma_wait3A_168 = arith.constant 0 : i32
    %dma_wait3A_169 = arith.constant 0 : i32
    %dma_wait3A_170 = tpu.memref_slice %arg7[%dma_wait3A_168, %dma_wait3A_169] : memref<5000x64xf32, #tpu.memory_space<vmem_shared>> -> memref<5000x64xf32, #tpu.memory_space<vmem_shared>>
    tpu.wait_indirect_dma semaphore(%arg8 : memref<!tpu.dma_semaphore, #tpu.memory_space<semaphore_mem>>) src(%dma_wait3A_170 : memref<5000x64xf32, #tpu.memory_space<vmem_shared>>) dst(%dma_wait3A_164 : memref<128x64xf32, #tpu.memory_space<vmem>>)
    %dma_wait3A_171 = arith.constant 7 : i32
    %dma_wait3A_172 = arith.constant 896 : i32
    %dma_wait3A_173 = arith.constant 0 : i32
    %dma_wait3A_174 = tpu.memref_slice %arg6[%dma_wait3A_172, %dma_wait3A_173] : memref<1280x64xf32, #tpu.memory_space<vmem>> -> memref<128x64xf32, #tpu.memory_space<vmem>>
    %dma_wait3A_175 = arith.constant 0 : i32
    %dma_wait3A_176 = tpu.memref_slice %arg5[%dma_wait3A_171, %dma_wait3A_175] : memref<10x128xi32, #tpu.memory_space<vmem>> -> memref<1x128xi32, #tpu.memory_space<vmem>>
    %dma_wait3A_177 = tpu.memref_squeeze %dma_wait3A_176 : memref<1x128xi32, #tpu.memory_space<vmem>> -> memref<128xi32, #tpu.memory_space<vmem>>
    %dma_wait3A_178 = arith.constant 0 : i32
    %dma_wait3A_179 = arith.constant 0 : i32
    %dma_wait3A_180 = tpu.memref_slice %arg7[%dma_wait3A_178, %dma_wait3A_179] : memref<5000x64xf32, #tpu.memory_space<vmem_shared>> -> memref<5000x64xf32, #tpu.memory_space<vmem_shared>>
    tpu.wait_indirect_dma semaphore(%arg8 : memref<!tpu.dma_semaphore, #tpu.memory_space<semaphore_mem>>) src(%dma_wait3A_180 : memref<5000x64xf32, #tpu.memory_space<vmem_shared>>) dst(%dma_wait3A_174 : memref<128x64xf32, #tpu.memory_space<vmem>>)
    %dma_wait3A_181 = arith.constant 8 : i32
    %dma_wait3A_182 = arith.constant 1024 : i32
    %dma_wait3A_183 = arith.constant 0 : i32
    %dma_wait3A_184 = tpu.memref_slice %arg6[%dma_wait3A_182, %dma_wait3A_183] : memref<1280x64xf32, #tpu.memory_space<vmem>> -> memref<128x64xf32, #tpu.memory_space<vmem>>
    %dma_wait3A_185 = arith.constant 0 : i32
    %dma_wait3A_186 = tpu.memref_slice %arg5[%dma_wait3A_181, %dma_wait3A_185] : memref<10x128xi32, #tpu.memory_space<vmem>> -> memref<1x128xi32, #tpu.memory_space<vmem>>
    %dma_wait3A_187 = tpu.memref_squeeze %dma_wait3A_186 : memref<1x128xi32, #tpu.memory_space<vmem>> -> memref<128xi32, #tpu.memory_space<vmem>>
    %dma_wait3A_188 = arith.constant 0 : i32
    %dma_wait3A_189 = arith.constant 0 : i32
    %dma_wait3A_190 = tpu.memref_slice %arg7[%dma_wait3A_188, %dma_wait3A_189] : memref<5000x64xf32, #tpu.memory_space<vmem_shared>> -> memref<5000x64xf32, #tpu.memory_space<vmem_shared>>
    tpu.wait_indirect_dma semaphore(%arg8 : memref<!tpu.dma_semaphore, #tpu.memory_space<semaphore_mem>>) src(%dma_wait3A_190 : memref<5000x64xf32, #tpu.memory_space<vmem_shared>>) dst(%dma_wait3A_184 : memref<128x64xf32, #tpu.memory_space<vmem>>)
    %dma_wait3A_191 = arith.constant 9 : i32
    %dma_wait3A_192 = arith.constant 1152 : i32
    %dma_wait3A_193 = arith.constant 0 : i32
    %dma_wait3A_194 = tpu.memref_slice %arg6[%dma_wait3A_192, %dma_wait3A_193] : memref<1280x64xf32, #tpu.memory_space<vmem>> -> memref<128x64xf32, #tpu.memory_space<vmem>>
    %dma_wait3A_195 = arith.constant 0 : i32
    %dma_wait3A_196 = tpu.memref_slice %arg5[%dma_wait3A_191, %dma_wait3A_195] : memref<10x128xi32, #tpu.memory_space<vmem>> -> memref<1x128xi32, #tpu.memory_space<vmem>>
    %dma_wait3A_197 = tpu.memref_squeeze %dma_wait3A_196 : memref<1x128xi32, #tpu.memory_space<vmem>> -> memref<128xi32, #tpu.memory_space<vmem>>
    %dma_wait3A_198 = arith.constant 0 : i32
    %dma_wait3A_199 = arith.constant 0 : i32
    %dma_wait3A_200 = tpu.memref_slice %arg7[%dma_wait3A_198, %dma_wait3A_199] : memref<5000x64xf32, #tpu.memory_space<vmem_shared>> -> memref<5000x64xf32, #tpu.memory_space<vmem_shared>>
    tpu.wait_indirect_dma semaphore(%arg8 : memref<!tpu.dma_semaphore, #tpu.memory_space<semaphore_mem>>) src(%dma_wait3A_200 : memref<5000x64xf32, #tpu.memory_space<vmem_shared>>) dst(%dma_wait3A_194 : memref<128x64xf32, #tpu.memory_space<vmem>>)
    %mul3A_201 = arith.constant 10 : i32
    %mul3A_202 = arith.muli %add3A, %mul3A_201 : i32
    %mul3A_203 = arith.constant 128 : i32
    %mul3A_204 = arith.muli %mul3A_202, %mul3A_203 : i32
    "tpu.region"() ({
      %run_scoped3A = tpu.sem_alloc : memref<!tpu.dma_semaphore, #tpu.memory_space<semaphore_mem>>
      %dma_start3A_205 = arith.constant 0 : i32
      %dma_start3A_206 = tpu.memref_slice %arg4[%mul3A_204, %dma_start3A_205] : memref<40960x64xf32, #tpu.memory_space<hbm>> -> memref<1280x64xf32, #tpu.memory_space<hbm>>
      %dma_start3A_207 = arith.constant 0 : i32
      %dma_start3A_208 = tpu.memref_slice %arg4[%mul3A_204, %dma_start3A_207] : memref<40960x64xf32, #tpu.memory_space<hbm>> -> memref<1280x64xf32, #tpu.memory_space<hbm>>
      tpu.enqueue_dma source(%arg6 : memref<1280x64xf32, #tpu.memory_space<vmem>>) target(%dma_start3A_208 : memref<1280x64xf32, #tpu.memory_space<hbm>>) target_semaphore(%run_scoped3A : memref<!tpu.dma_semaphore, #tpu.memory_space<semaphore_mem>>)
      %dma_wait3A_209 = arith.constant 0 : i32
      %dma_wait3A_210 = tpu.memref_slice %arg4[%mul3A_204, %dma_wait3A_209] : memref<40960x64xf32, #tpu.memory_space<hbm>> -> memref<1280x64xf32, #tpu.memory_space<hbm>>
      %dma_wait3A_211 = arith.constant 0 : i32
      %dma_wait3A_212 = tpu.memref_slice %arg4[%mul3A_204, %dma_wait3A_211] : memref<40960x64xf32, #tpu.memory_space<hbm>> -> memref<1280x64xf32, #tpu.memory_space<hbm>>
      tpu.wait_dma2 semaphore(%run_scoped3A : memref<!tpu.dma_semaphore, #tpu.memory_space<semaphore_mem>>) src(%arg6 : memref<1280x64xf32, #tpu.memory_space<vmem>>) dst(%dma_wait3A_212 : memref<1280x64xf32, #tpu.memory_space<hbm>>)
      tpu.yield
    }) : () -> ()
    return
  }
}

module attributes {stable_mosaic.version = 14 : i64} {
  func.func @_edge_math_body(%arg0: i32, %arg1: memref<4096x128xf32, #tpu.memory_space<vmem>>, %arg2: memref<4096x128xf32, #tpu.memory_space<vmem>>, %arg3: memref<8x128x64xf32, #tpu.memory_space<vmem>>, %arg4: memref<16x8xf32, #tpu.memory_space<vmem>>, %arg5: memref<128x64xf32, #tpu.memory_space<vmem>>, %arg6: memref<192x64xf32, #tpu.memory_space<vmem>>, %arg7: memref<1x64xf32, #tpu.memory_space<vmem>>, %arg8: memref<64x1xf32, #tpu.memory_space<vmem>>, %arg9: memref<1x1xf32, #tpu.memory_space<vmem>>, %arg10: memref<2048x128xf32, #tpu.memory_space<vmem>>) attributes {dimension_semantics = [#tpu.dimension_semantics<arbitrary>], iteration_bounds = array<i64: 5>, scalar_prefetch = 0 : i64, scratch_operands = 0 : i64, tpu.core_type = #tpu.core_type<tc>, window_params = [{transform_indices = @transform_0, window_bounds = array<i64: 4096, 128>}, {transform_indices = @transform_1, window_bounds = array<i64: 4096, 128>}, {pipeline_mode = #tpu.pipeline_mode<synchronous>, transform_indices = @transform_2, window_bounds = array<i64: 8, 128, 64>}, {pipeline_mode = #tpu.pipeline_mode<synchronous>, transform_indices = @transform_3, window_bounds = array<i64: 16, 8>}, {pipeline_mode = #tpu.pipeline_mode<synchronous>, transform_indices = @transform_4, window_bounds = array<i64: 128, 64>}, {pipeline_mode = #tpu.pipeline_mode<synchronous>, transform_indices = @transform_5, window_bounds = array<i64: 192, 64>}, {pipeline_mode = #tpu.pipeline_mode<synchronous>, transform_indices = @transform_6, window_bounds = array<i64: 1, 64>}, {pipeline_mode = #tpu.pipeline_mode<synchronous>, transform_indices = @transform_7, window_bounds = array<i64: 64, 1>}, {pipeline_mode = #tpu.pipeline_mode<synchronous>, transform_indices = @transform_8, window_bounds = array<i64: 1, 1>}, {transform_indices = @transform_9, window_bounds = array<i64: 2048, 128>}]} {
    %get3A = arith.constant 0 : index
    %get3A_0 = arith.constant 0 : index
    %get3A_1 = vector.load %arg1[%get3A, %get3A_0] : memref<4096x128xf32, #tpu.memory_space<vmem>>, vector<4096x128xf32>
    %get3A_2 = arith.constant 0 : index
    %get3A_3 = arith.constant 0 : index
    %get3A_4 = vector.load %arg2[%get3A_2, %get3A_3] : memref<4096x128xf32, #tpu.memory_space<vmem>>, vector<4096x128xf32>
    %slice3A = vector.extract_strided_slice %get3A_4 {offsets = [0, 64], sizes = [4096, 1], strides = [1, 1]} : vector<4096x128xf32> to vector<4096x1xf32>
    %iota3A = tpu.iota {dimensions = array<i32: 1>} : vector<1x16xi32>
    %convert_element_type3A = arith.sitofp %iota3A : vector<1x16xi32> to vector<1x16xf32>
    %eq3A = vector.broadcast %slice3A : vector<4096x1xf32> to vector<4096x16xf32>
    %eq3A_5 = vector.broadcast %convert_element_type3A : vector<1x16xf32> to vector<4096x16xf32>
    %eq3A_6 = arith.cmpf oeq, %eq3A, %eq3A_5 : vector<4096x16xf32>
    %convert_element_type3A_7 = arith.extui %eq3A_6 : vector<4096x16xi1> to vector<4096x16xi32>
    %convert_element_type3A_8 = arith.sitofp %convert_element_type3A_7 : vector<4096x16xi32> to vector<4096x16xf32>
    %get3A_9 = arith.constant 0 : index
    %get3A_10 = arith.constant 0 : index
    %get3A_11 = vector.load %arg4[%get3A_9, %get3A_10] : memref<16x8xf32, #tpu.memory_space<vmem>>, vector<16x8xf32>
    %dot_general3A = arith.constant dense<0.000000e+00> : vector<4096x8xf32>
    %dot_general3A_12 = tpu.matmul %convert_element_type3A_8, %get3A_11, %dot_general3A {dimension_numbers = #tpu.dot_dimension_numbers<[1], [0], [0], [1], [0, 0, 1, 1], [], []>, transpose_lhs_hint = false} : vector<4096x16xf32>, vector<16x8xf32>, vector<4096x8xf32> -> vector<4096x8xf32>
    %broadcast_in_dim3A = arith.constant 0.000000e+00 : f32
    %broadcast_in_dim3A_13 = vector.broadcast %broadcast_in_dim3A : f32 to vector<4096x64xf32>
    %slice3A_14 = vector.extract_strided_slice %dot_general3A_12 {offsets = [0, 0], sizes = [4096, 1], strides = [1, 1]} : vector<4096x8xf32> to vector<4096x1xf32>
    %get3A_15 = arith.constant 0 : index
    %get3A_16 = arith.constant 0 : index
    %get3A_17 = arith.constant 0 : index
    %get3A_18 = vector.load %arg3[%get3A_15, %get3A_16, %get3A_17] : memref<8x128x64xf32, #tpu.memory_space<vmem>>, vector<1x128x64xf32>
    %get3A_19 = vector.shape_cast %get3A_18 : vector<1x128x64xf32> to vector<128x64xf32>
    %dot_general3A_20 = arith.constant dense<0.000000e+00> : vector<4096x64xf32>
    %dot_general3A_21 = tpu.matmul %get3A_1, %get3A_19, %dot_general3A_20 {dimension_numbers = #tpu.dot_dimension_numbers<[1], [0], [0], [1], [0, 0, 1, 1], [], []>, transpose_lhs_hint = false} : vector<4096x128xf32>, vector<128x64xf32>, vector<4096x64xf32> -> vector<4096x64xf32>
    %mul3A = vector.broadcast %slice3A_14 : vector<4096x1xf32> to vector<4096x64xf32>
    %mul3A_22 = arith.mulf %mul3A, %dot_general3A_21 : vector<4096x64xf32>
    %add3A = arith.addf %broadcast_in_dim3A_13, %mul3A_22 : vector<4096x64xf32>
    %slice3A_23 = vector.extract_strided_slice %dot_general3A_12 {offsets = [0, 1], sizes = [4096, 1], strides = [1, 1]} : vector<4096x8xf32> to vector<4096x1xf32>
    %get3A_24 = arith.constant 1 : index
    %get3A_25 = arith.constant 0 : index
    %get3A_26 = arith.constant 0 : index
    %get3A_27 = vector.load %arg3[%get3A_24, %get3A_25, %get3A_26] : memref<8x128x64xf32, #tpu.memory_space<vmem>>, vector<1x128x64xf32>
    %get3A_28 = vector.shape_cast %get3A_27 : vector<1x128x64xf32> to vector<128x64xf32>
    %dot_general3A_29 = arith.constant dense<0.000000e+00> : vector<4096x64xf32>
    %dot_general3A_30 = tpu.matmul %get3A_1, %get3A_28, %dot_general3A_29 {dimension_numbers = #tpu.dot_dimension_numbers<[1], [0], [0], [1], [0, 0, 1, 1], [], []>, transpose_lhs_hint = false} : vector<4096x128xf32>, vector<128x64xf32>, vector<4096x64xf32> -> vector<4096x64xf32>
    %mul3A_31 = vector.broadcast %slice3A_23 : vector<4096x1xf32> to vector<4096x64xf32>
    %mul3A_32 = arith.mulf %mul3A_31, %dot_general3A_30 : vector<4096x64xf32>
    %add3A_33 = arith.addf %add3A, %mul3A_32 : vector<4096x64xf32>
    %slice3A_34 = vector.extract_strided_slice %dot_general3A_12 {offsets = [0, 2], sizes = [4096, 1], strides = [1, 1]} : vector<4096x8xf32> to vector<4096x1xf32>
    %get3A_35 = arith.constant 2 : index
    %get3A_36 = arith.constant 0 : index
    %get3A_37 = arith.constant 0 : index
    %get3A_38 = vector.load %arg3[%get3A_35, %get3A_36, %get3A_37] : memref<8x128x64xf32, #tpu.memory_space<vmem>>, vector<1x128x64xf32>
    %get3A_39 = vector.shape_cast %get3A_38 : vector<1x128x64xf32> to vector<128x64xf32>
    %dot_general3A_40 = arith.constant dense<0.000000e+00> : vector<4096x64xf32>
    %dot_general3A_41 = tpu.matmul %get3A_1, %get3A_39, %dot_general3A_40 {dimension_numbers = #tpu.dot_dimension_numbers<[1], [0], [0], [1], [0, 0, 1, 1], [], []>, transpose_lhs_hint = false} : vector<4096x128xf32>, vector<128x64xf32>, vector<4096x64xf32> -> vector<4096x64xf32>
    %mul3A_42 = vector.broadcast %slice3A_34 : vector<4096x1xf32> to vector<4096x64xf32>
    %mul3A_43 = arith.mulf %mul3A_42, %dot_general3A_41 : vector<4096x64xf32>
    %add3A_44 = arith.addf %add3A_33, %mul3A_43 : vector<4096x64xf32>
    %slice3A_45 = vector.extract_strided_slice %dot_general3A_12 {offsets = [0, 3], sizes = [4096, 1], strides = [1, 1]} : vector<4096x8xf32> to vector<4096x1xf32>
    %get3A_46 = arith.constant 3 : index
    %get3A_47 = arith.constant 0 : index
    %get3A_48 = arith.constant 0 : index
    %get3A_49 = vector.load %arg3[%get3A_46, %get3A_47, %get3A_48] : memref<8x128x64xf32, #tpu.memory_space<vmem>>, vector<1x128x64xf32>
    %get3A_50 = vector.shape_cast %get3A_49 : vector<1x128x64xf32> to vector<128x64xf32>
    %dot_general3A_51 = arith.constant dense<0.000000e+00> : vector<4096x64xf32>
    %dot_general3A_52 = tpu.matmul %get3A_1, %get3A_50, %dot_general3A_51 {dimension_numbers = #tpu.dot_dimension_numbers<[1], [0], [0], [1], [0, 0, 1, 1], [], []>, transpose_lhs_hint = false} : vector<4096x128xf32>, vector<128x64xf32>, vector<4096x64xf32> -> vector<4096x64xf32>
    %mul3A_53 = vector.broadcast %slice3A_45 : vector<4096x1xf32> to vector<4096x64xf32>
    %mul3A_54 = arith.mulf %mul3A_53, %dot_general3A_52 : vector<4096x64xf32>
    %add3A_55 = arith.addf %add3A_44, %mul3A_54 : vector<4096x64xf32>
    %slice3A_56 = vector.extract_strided_slice %dot_general3A_12 {offsets = [0, 4], sizes = [4096, 1], strides = [1, 1]} : vector<4096x8xf32> to vector<4096x1xf32>
    %get3A_57 = arith.constant 4 : index
    %get3A_58 = arith.constant 0 : index
    %get3A_59 = arith.constant 0 : index
    %get3A_60 = vector.load %arg3[%get3A_57, %get3A_58, %get3A_59] : memref<8x128x64xf32, #tpu.memory_space<vmem>>, vector<1x128x64xf32>
    %get3A_61 = vector.shape_cast %get3A_60 : vector<1x128x64xf32> to vector<128x64xf32>
    %dot_general3A_62 = arith.constant dense<0.000000e+00> : vector<4096x64xf32>
    %dot_general3A_63 = tpu.matmul %get3A_1, %get3A_61, %dot_general3A_62 {dimension_numbers = #tpu.dot_dimension_numbers<[1], [0], [0], [1], [0, 0, 1, 1], [], []>, transpose_lhs_hint = false} : vector<4096x128xf32>, vector<128x64xf32>, vector<4096x64xf32> -> vector<4096x64xf32>
    %mul3A_64 = vector.broadcast %slice3A_56 : vector<4096x1xf32> to vector<4096x64xf32>
    %mul3A_65 = arith.mulf %mul3A_64, %dot_general3A_63 : vector<4096x64xf32>
    %add3A_66 = arith.addf %add3A_55, %mul3A_65 : vector<4096x64xf32>
    %slice3A_67 = vector.extract_strided_slice %dot_general3A_12 {offsets = [0, 5], sizes = [4096, 1], strides = [1, 1]} : vector<4096x8xf32> to vector<4096x1xf32>
    %get3A_68 = arith.constant 5 : index
    %get3A_69 = arith.constant 0 : index
    %get3A_70 = arith.constant 0 : index
    %get3A_71 = vector.load %arg3[%get3A_68, %get3A_69, %get3A_70] : memref<8x128x64xf32, #tpu.memory_space<vmem>>, vector<1x128x64xf32>
    %get3A_72 = vector.shape_cast %get3A_71 : vector<1x128x64xf32> to vector<128x64xf32>
    %dot_general3A_73 = arith.constant dense<0.000000e+00> : vector<4096x64xf32>
    %dot_general3A_74 = tpu.matmul %get3A_1, %get3A_72, %dot_general3A_73 {dimension_numbers = #tpu.dot_dimension_numbers<[1], [0], [0], [1], [0, 0, 1, 1], [], []>, transpose_lhs_hint = false} : vector<4096x128xf32>, vector<128x64xf32>, vector<4096x64xf32> -> vector<4096x64xf32>
    %mul3A_75 = vector.broadcast %slice3A_67 : vector<4096x1xf32> to vector<4096x64xf32>
    %mul3A_76 = arith.mulf %mul3A_75, %dot_general3A_74 : vector<4096x64xf32>
    %add3A_77 = arith.addf %add3A_66, %mul3A_76 : vector<4096x64xf32>
    %slice3A_78 = vector.extract_strided_slice %dot_general3A_12 {offsets = [0, 6], sizes = [4096, 1], strides = [1, 1]} : vector<4096x8xf32> to vector<4096x1xf32>
    %get3A_79 = arith.constant 6 : index
    %get3A_80 = arith.constant 0 : index
    %get3A_81 = arith.constant 0 : index
    %get3A_82 = vector.load %arg3[%get3A_79, %get3A_80, %get3A_81] : memref<8x128x64xf32, #tpu.memory_space<vmem>>, vector<1x128x64xf32>
    %get3A_83 = vector.shape_cast %get3A_82 : vector<1x128x64xf32> to vector<128x64xf32>
    %dot_general3A_84 = arith.constant dense<0.000000e+00> : vector<4096x64xf32>
    %dot_general3A_85 = tpu.matmul %get3A_1, %get3A_83, %dot_general3A_84 {dimension_numbers = #tpu.dot_dimension_numbers<[1], [0], [0], [1], [0, 0, 1, 1], [], []>, transpose_lhs_hint = false} : vector<4096x128xf32>, vector<128x64xf32>, vector<4096x64xf32> -> vector<4096x64xf32>
    %mul3A_86 = vector.broadcast %slice3A_78 : vector<4096x1xf32> to vector<4096x64xf32>
    %mul3A_87 = arith.mulf %mul3A_86, %dot_general3A_85 : vector<4096x64xf32>
    %add3A_88 = arith.addf %add3A_77, %mul3A_87 : vector<4096x64xf32>
    %slice3A_89 = vector.extract_strided_slice %dot_general3A_12 {offsets = [0, 7], sizes = [4096, 1], strides = [1, 1]} : vector<4096x8xf32> to vector<4096x1xf32>
    %get3A_90 = arith.constant 7 : index
    %get3A_91 = arith.constant 0 : index
    %get3A_92 = arith.constant 0 : index
    %get3A_93 = vector.load %arg3[%get3A_90, %get3A_91, %get3A_92] : memref<8x128x64xf32, #tpu.memory_space<vmem>>, vector<1x128x64xf32>
    %get3A_94 = vector.shape_cast %get3A_93 : vector<1x128x64xf32> to vector<128x64xf32>
    %dot_general3A_95 = arith.constant dense<0.000000e+00> : vector<4096x64xf32>
    %dot_general3A_96 = tpu.matmul %get3A_1, %get3A_94, %dot_general3A_95 {dimension_numbers = #tpu.dot_dimension_numbers<[1], [0], [0], [1], [0, 0, 1, 1], [], []>, transpose_lhs_hint = false} : vector<4096x128xf32>, vector<128x64xf32>, vector<4096x64xf32> -> vector<4096x64xf32>
    %mul3A_97 = vector.broadcast %slice3A_89 : vector<4096x1xf32> to vector<4096x64xf32>
    %mul3A_98 = arith.mulf %mul3A_97, %dot_general3A_96 : vector<4096x64xf32>
    %add3A_99 = arith.addf %add3A_88, %mul3A_98 : vector<4096x64xf32>
    %slice3A_100 = vector.extract_strided_slice %get3A_4 {offsets = [0, 0], sizes = [4096, 64], strides = [1, 1]} : vector<4096x128xf32> to vector<4096x64xf32>
    %concatenate3A = tpu.concatenate %get3A_1, %slice3A_100 in 1 : vector<4096x128xf32>, vector<4096x64xf32> -> vector<4096x192xf32>
    %get3A_101 = arith.constant 0 : index
    %get3A_102 = arith.constant 0 : index
    %get3A_103 = vector.load %arg6[%get3A_101, %get3A_102] : memref<192x64xf32, #tpu.memory_space<vmem>>, vector<192x64xf32>
    %dot_general3A_104 = arith.constant dense<0.000000e+00> : vector<4096x64xf32>
    %dot_general3A_105 = tpu.matmul %concatenate3A, %get3A_103, %dot_general3A_104 {dimension_numbers = #tpu.dot_dimension_numbers<[1], [0], [0], [1], [0, 0, 1, 1], [], []>, transpose_lhs_hint = false} : vector<4096x192xf32>, vector<192x64xf32>, vector<4096x64xf32> -> vector<4096x64xf32>
    %get3A_106 = arith.constant 0 : index
    %get3A_107 = arith.constant 0 : index
    %get3A_108 = vector.load %arg7[%get3A_106, %get3A_107] : memref<1x64xf32, #tpu.memory_space<vmem>>, vector<1x64xf32>
    %add3A_109 = vector.broadcast %get3A_108 : vector<1x64xf32> to vector<4096x64xf32>
    %add3A_110 = arith.addf %dot_general3A_105, %add3A_109 : vector<4096x64xf32>
    %max3A = arith.constant 0.000000e+00 : f32
    %max3A_111 = vector.broadcast %max3A : f32 to vector<4096x64xf32>
    %max3A_112 = arith.maximumf %add3A_110, %max3A_111 : vector<4096x64xf32>
    %get3A_113 = arith.constant 0 : index
    %get3A_114 = arith.constant 0 : index
    %get3A_115 = vector.load %arg8[%get3A_113, %get3A_114] : memref<64x1xf32, #tpu.memory_space<vmem>>, vector<64x1xf32>
    %dot_general3A_116 = arith.constant dense<0.000000e+00> : vector<4096x1xf32>
    %dot_general3A_117 = tpu.matmul %max3A_112, %get3A_115, %dot_general3A_116 {dimension_numbers = #tpu.dot_dimension_numbers<[1], [0], [0], [1], [0, 0, 1, 1], [], []>, transpose_lhs_hint = false} : vector<4096x64xf32>, vector<64x1xf32>, vector<4096x1xf32> -> vector<4096x1xf32>
    %get3A_118 = arith.constant 0 : index
    %get3A_119 = arith.constant 0 : index
    %get3A_120 = vector.load %arg9[%get3A_118, %get3A_119] : memref<1x1xf32, #tpu.memory_space<vmem>>, vector<1x1xf32>
    %add3A_121 = vector.broadcast %get3A_120 : vector<1x1xf32> to vector<4096x1xf32>
    %add3A_122 = arith.addf %dot_general3A_117, %add3A_121 : vector<4096x1xf32>
    %neg3A = arith.constant 0.000000e+00 : f32
    %neg3A_123 = vector.broadcast %neg3A : f32 to vector<4096x1xf32>
    %neg3A_124 = arith.subf %neg3A_123, %add3A_122 : vector<4096x1xf32>
    %exp3A = math.exp %neg3A_124 : vector<4096x1xf32>
    %add3A_125 = arith.constant 1.000000e+00 : f32
    %add3A_126 = vector.broadcast %add3A_125 : f32 to vector<4096x1xf32>
    %add3A_127 = arith.addf %add3A_126, %exp3A : vector<4096x1xf32>
    %div3A = arith.constant 1.000000e+00 : f32
    %div3A_128 = vector.broadcast %div3A : f32 to vector<4096x1xf32>
    %div3A_129 = arith.divf %div3A_128, %add3A_127 : vector<4096x1xf32>
    %get3A_130 = arith.constant 0 : index
    %get3A_131 = arith.constant 0 : index
    %get3A_132 = vector.load %arg5[%get3A_130, %get3A_131] : memref<128x64xf32, #tpu.memory_space<vmem>>, vector<128x64xf32>
    %dot_general3A_133 = arith.constant dense<0.000000e+00> : vector<4096x64xf32>
    %dot_general3A_134 = tpu.matmul %get3A_1, %get3A_132, %dot_general3A_133 {dimension_numbers = #tpu.dot_dimension_numbers<[1], [0], [0], [1], [0, 0, 1, 1], [], []>, transpose_lhs_hint = false} : vector<4096x128xf32>, vector<128x64xf32>, vector<4096x64xf32> -> vector<4096x64xf32>
    %mul3A_135 = vector.broadcast %div3A_129 : vector<4096x1xf32> to vector<4096x64xf32>
    %mul3A_136 = arith.mulf %add3A_99, %mul3A_135 : vector<4096x64xf32>
    %add3A_137 = arith.addf %dot_general3A_134, %mul3A_136 : vector<4096x64xf32>
    %slice3A_138 = vector.extract_strided_slice %add3A_137 {offsets = [0, 0], sizes = [2048, 64], strides = [1, 1]} : vector<4096x64xf32> to vector<2048x64xf32>
    %slice3A_139 = vector.extract_strided_slice %add3A_137 {offsets = [2048, 0], sizes = [2048, 64], strides = [1, 1]} : vector<4096x64xf32> to vector<2048x64xf32>
    %concatenate3A_140 = tpu.concatenate %slice3A_138, %slice3A_139 in 1 : vector<2048x64xf32>, vector<2048x64xf32> -> vector<2048x128xf32>
    %swap3A = arith.constant 0 : index
    %swap3A_141 = arith.constant 0 : index
    %swap3A_142 = vector.load %arg10[%swap3A, %swap3A_141] : memref<2048x128xf32, #tpu.memory_space<vmem>>, vector<2048x128xf32>
    tpu.vector_store %arg10[%swap3A, %swap3A_141], %concatenate3A_140 {strides = array<i32>} : memref<2048x128xf32, #tpu.memory_space<vmem>>, vector<2048x128xf32>,
    return
  }
  func.func @transform_0(%arg0: i32) -> (i32, i32) {
    %c0_i32 = arith.constant 0 : i32
    %c0_i32_0 = arith.constant 0 : i32
    return %arg0, %c0_i32 : i32, i32
  }
  func.func @transform_1(%arg0: i32) -> (i32, i32) {
    %c0_i32 = arith.constant 0 : i32
    %c0_i32_0 = arith.constant 0 : i32
    return %arg0, %c0_i32 : i32, i32
  }
  func.func @transform_2(%arg0: i32) -> (i32, i32, i32) {
    %c0_i32 = arith.constant 0 : i32
    %c0_i32_0 = arith.constant 0 : i32
    %c0_i32_1 = arith.constant 0 : i32
    %c0_i32_2 = arith.constant 0 : i32
    return %c0_i32, %c0_i32_0, %c0_i32_1 : i32, i32, i32
  }
  func.func @transform_3(%arg0: i32) -> (i32, i32) {
    %c0_i32 = arith.constant 0 : i32
    %c0_i32_0 = arith.constant 0 : i32
    %c0_i32_1 = arith.constant 0 : i32
    return %c0_i32, %c0_i32_0 : i32, i32
  }
  func.func @transform_4(%arg0: i32) -> (i32, i32) {
    %c0_i32 = arith.constant 0 : i32
    %c0_i32_0 = arith.constant 0 : i32
    %c0_i32_1 = arith.constant 0 : i32
    return %c0_i32, %c0_i32_0 : i32, i32
  }
  func.func @transform_5(%arg0: i32) -> (i32, i32) {
    %c0_i32 = arith.constant 0 : i32
    %c0_i32_0 = arith.constant 0 : i32
    %c0_i32_1 = arith.constant 0 : i32
    return %c0_i32, %c0_i32_0 : i32, i32
  }
  func.func @transform_6(%arg0: i32) -> (i32, i32) {
    %c0_i32 = arith.constant 0 : i32
    %c0_i32_0 = arith.constant 0 : i32
    %c0_i32_1 = arith.constant 0 : i32
    return %c0_i32, %c0_i32_0 : i32, i32
  }
  func.func @transform_7(%arg0: i32) -> (i32, i32) {
    %c0_i32 = arith.constant 0 : i32
    %c0_i32_0 = arith.constant 0 : i32
    %c0_i32_1 = arith.constant 0 : i32
    return %c0_i32, %c0_i32_0 : i32, i32
  }
  func.func @transform_8(%arg0: i32) -> (i32, i32) {
    %c0_i32 = arith.constant 0 : i32
    %c0_i32_0 = arith.constant 0 : i32
    %c0_i32_1 = arith.constant 0 : i32
    return %c0_i32, %c0_i32_0 : i32, i32
  }
  func.func @transform_9(%arg0: i32) -> (i32, i32) {
    %c0_i32 = arith.constant 0 : i32
    %c0_i32_0 = arith.constant 0 : i32
    return %arg0, %c0_i32 : i32, i32
  }
}

module attributes {stable_mosaic.version = 14 : i64} {
  func.func @_combine_body(%arg0: i32, %arg1: memref<2x2508x128xf32, #tpu.memory_space<vmem>>, %arg2: memref<2508x128xf32, #tpu.memory_space<vmem>>) attributes {dimension_semantics = [#tpu.dimension_semantics<arbitrary>], iteration_bounds = array<i64: 1>, scalar_prefetch = 0 : i64, scratch_operands = 0 : i64, tpu.core_type = #tpu.core_type<tc>, window_params = [{pipeline_mode = #tpu.pipeline_mode<synchronous>, transform_indices = @transform_0, window_bounds = array<i64: 2, 2508, 128>}, {pipeline_mode = #tpu.pipeline_mode<synchronous>, transform_indices = @transform_1, window_bounds = array<i64: 2508, 128>}]} {
    %get3A = arith.constant 0 : index
    %get3A_0 = arith.constant 0 : index
    %get3A_1 = arith.constant 0 : index
    %get3A_2 = vector.load %arg1[%get3A, %get3A_0, %get3A_1] : memref<2x2508x128xf32, #tpu.memory_space<vmem>>, vector<1x2508x128xf32>
    %get3A_3 = vector.shape_cast %get3A_2 : vector<1x2508x128xf32> to vector<2508x128xf32>
    %get3A_4 = arith.constant 1 : index
    %get3A_5 = arith.constant 0 : index
    %get3A_6 = arith.constant 0 : index
    %get3A_7 = vector.load %arg1[%get3A_4, %get3A_5, %get3A_6] : memref<2x2508x128xf32, #tpu.memory_space<vmem>>, vector<1x2508x128xf32>
    %get3A_8 = vector.shape_cast %get3A_7 : vector<1x2508x128xf32> to vector<2508x128xf32>
    %add3A = arith.addf %get3A_3, %get3A_8 : vector<2508x128xf32>
    %swap3A = arith.constant 0 : index
    %swap3A_9 = arith.constant 0 : index
    %swap3A_10 = vector.load %arg2[%swap3A, %swap3A_9] : memref<2508x128xf32, #tpu.memory_space<vmem>>, vector<2508x128xf32>
    tpu.vector_store %arg2[%swap3A, %swap3A_9], %add3A {strides = array<i32>} : memref<2508x128xf32, #tpu.memory_space<vmem>>, vector<2508x128xf32>,
    return
  }
  func.func @transform_0(%arg0: i32) -> (i32, i32, i32) {
    %c0_i32 = arith.constant 0 : i32
    %c0_i32_0 = arith.constant 0 : i32
    %c0_i32_1 = arith.constant 0 : i32
    %c0_i32_2 = arith.constant 0 : i32
    return %c0_i32, %c0_i32_0, %c0_i32_1 : i32, i32, i32
  }
  func.func @transform_1(%arg0: i32) -> (i32, i32) {
    %c0_i32 = arith.constant 0 : i32
    %c0_i32_0 = arith.constant 0 : i32
    %c0_i32_1 = arith.constant 0 : i32
    return %c0_i32, %c0_i32_0 : i32, i32
  }
}

</mosaic_0001>

<sc_bundles>
// kernel: kernel.6.cloned.1.call-start
scs
__scs_entry_jumppad:
0x0: {  	(pc) =	sbr.rel $0x88, $3  }
0x1: {  	(tag) =	ssettag $0x0;
	lr =	simm.s32 $0x1  }
0x2: {  	[smem:$0x3F95] =	sst lr;
	_ =	strace $0xD0000000  }
0x3: {  	_ = 	snop  }
0x4: {  	_ = 	snop  }
0x5: {  	_ = 	snop  }
0x6: {  	_ = 	snop  }
0x7: {  	_ = 	snop  }
__scs_overlays_trampoline_lowered:
0x8: {  	[smem:$0x3FA4] =	sst s0  }
0x9: {  	[smem:$0x3FA5] =	sst s1  }
0xa: {  	[smem:$0x3FA6] =	sst s2  }
0xb: {  	[smem:$0x3FA7] =	sst s3  }
0xc: {  	[smem:$0x3FA8] =	sst s4  }
0xd: {  	[smem:$0x3FA9] =	sst s5  }
0xe: {  	[smem:$0x3FAA] =	sst s6  }
0xf: {  	[smem:$0x3FAB] =	sst s7  }
0x10: {  	[smem:$0x3FAC] =	sst s8  }
0x11: {  	[smem:$0x3FAD] =	sst s9;
	s0 =	simm.s32 @!p0 $0x0  }
0x12: {  	s1 =	sld [smem:$0x3F93];
	s0 =	simm.s32 @p0 $0x1  }
0x13: {  	[smem:$0x3FAE] =	sst s0;
	s0 =	simm.s32 @!p1 $0x0  }
0x14: {  	s2 =	sld [smem:$0x3F92];
	s0 =	simm.s32 @p1 $0x1  }
0x15: {  	[smem:$0x3FAF] =	sst s0;
	s0 =	simm.s32 @!p2 $0x0  }
0x16: {  	s3 =	sld [smem:$0x3FDB];
	s0 =	simm.s32 @p2 $0x1  }
0x17: {  	s4 =	simm.s32 $0x1BF5;
	[smem:$0x3FB1] =	sst s0  }
0x18: {  	s0 =	sld [smem:$0x3F94];
	_ =	swait.ge [sflag:s4], $0x0  }
0x19: {  	s7 =	sld [smem:$0x3F95]  }
0x1a: {  	s8 =	sadd.s32 $0xFFFFE003, lr  }
0x1b: {  	s9 =	sadd.s32 $0xFFFFFEF7, lr;
	s5 =	simm.s32 $0xFFFFFFFF;
	p2 =	slt.u32 s8, $0xFFFFF086  }
0x1c: {  	p1 =	slt.u32 s9, $0xF7A;
	s5 =	simm.s32 @!p2 $0x0  }
0x1d: {  	s5 =	simm.s32 @p1 $0x1;
	p0 =	seq.s32 s7, s2  }
0x1e: {  	s7 =	smul.u32 @!p0 $0xF7A, s2;
	p2 =	seq.s32 @!p0 s5, $0x0  }
0x1f: {  	s9 =	smul.u32 $0xF7A, s1;
	s8 =	simm.s32 @!p0 $0x1BF5;
	p2 =	por !p2, p0  }
0x20: {  	[sflag:s8] =	ssyncset.s32 @!p0 $0xFFFFF086;
	s6 =	sadd.s32 @!p0 s3, s7;
	s7 =	simm.s32 @!p0 $0x108  }
0x21: {  	s3 =	sadd.s32 s3, s9;
	s6 =	sadd.s32 @!p0 $0x88, s6;
	s7 =	simm.s32 @p2 $0x1082  }
0x22: {  	[simem:s7], [sflag:s8] =	dma.local @!p0 [hbm:s6], $0xF7A  }
0x23: {  	s9 =	sor.u32 $0xD0000000, s2;
	s6 =	simm.s32 $0x108;
	_ =	swait.ge @!p0 [sflag:s8], $0x0  }
0x24: {  	s3 =	sadd.s32 $0x88, s3;
	s6 =	simm.s32 @!p1 $0x1082;
	[sflag:s4] =	ssyncset.s32 $0xFFFFF086  }
0x25: {  	[simem:s6], [sflag:s4] =	dma.local [hbm:s3], $0xF7A  }
0x26: {  	[smem:$0x3F95] =	sst s1;
	(tag) =	ssettag s2;
	_ =	strace s9  }
0x27: {  	s1 =	sld [smem:$0x3FA5]  }
0x28: {  	s2 =	sld [smem:$0x3FA6]  }
0x29: {  	s4 =	sld [smem:$0x3FA8]  }
0x2a: {  	p0 =	seq.s32 s5, $0x0;
	s5 =	sld [smem:$0x3FA9]  }
0x2b: {  	s6 =	sld [smem:$0x3FAA]  }
0x2c: {  	s7 =	sld [smem:$0x3FAB]  }
0x2d: {  	s3 =	simm.s32 $0x108;
	s8 =	sld [smem:$0x3FAC]  }
0x2e: {  	s3 =	simm.s32 @!p0 $0x1082;
	s9 =	sld [smem:$0x3FAD]  }
0x2f: {  	lr =	sadd.s32 s0, s3;
	s0 =	sld [smem:$0x3FA4]  }
0x30: {  	s3 =	sld [smem:$0x3FA7]  }
0x31: {  	[smem:$0x3FB0] =	sst s10  }
0x32: {  	s10 =	sld [smem:$0x3FAE];
	_ =	sdelay $0x3  }
0x33: {  	p0 =	seq.s32 s10, $0x1;
	s10 =	sld [smem:$0x3FB0];
	_ =	sdelay $0x3  }
0x34: {  	[smem:$0x3FB0] =	sst s10  }
0x35: {  	s10 =	sld [smem:$0x3FAF];
	_ =	sdelay $0x3  }
0x36: {  	p1 =	seq.s32 s10, $0x1;
	s10 =	sld [smem:$0x3FB0];
	_ =	sdelay $0x3  }
0x37: {  	[smem:$0x3FB0] =	sst s10  }
0x38: {  	s10 =	sld [smem:$0x3FB1]  }
0x39: {  	_ = 	snop;
	(pc) =	sbr.ind lr, $3  }
0x3a: {  	_ = 	snop  }
0x3b: {  	_ = 	snop  }
0x3c: {  	p2 =	seq.s32 s10, $0x1;
	s10 =	sld [smem:$0x3FB0]  }
0x3d: {  	_ =	shalt  }
0x3e: {  	_ =	shalt  }
0x3f: {  	_ =	shalt  }
0x40: {  	_ =	shalt  }
0x41: {  	_ =	shalt  }
0x42: {  	_ =	shalt  }
0x43: {  	_ =	shalt  }
0x44: {  	_ =	shalt  }
0x45: {  	_ =	shalt  }
0x46: {  	_ =	shalt  }
0x47: {  	_ =	shalt  }
0x48: {  	_ =	shalt  }
0x49: {  	_ =	shalt  }
0x4a: {  	_ =	shalt  }
0x4b: {  	_ =	shalt  }
0x4c: {  	_ =	shalt  }
0x4d: {  	_ =	shalt  }
0x4e: {  	_ =	shalt  }
0x4f: {  	_ =	shalt  }
0x50: {  	_ =	shalt  }
0x51: {  	_ =	shalt  }
0x52: {  	_ =	shalt  }
0x53: {  	_ =	shalt  }
0x54: {  	_ =	shalt  }
0x55: {  	_ =	shalt  }
0x56: {  	_ =	shalt  }
0x57: {  	_ =	shalt  }
0x58: {  	_ =	shalt  }
0x59: {  	_ =	shalt  }
0x5a: {  	_ =	shalt  }
0x5b: {  	_ =	shalt  }
0x5c: {  	_ =	shalt  }
0x5d: {  	_ =	shalt  }
0x5e: {  	_ =	shalt  }
0x5f: {  	_ =	shalt  }
0x60: {  	_ =	shalt  }
0x61: {  	_ =	shalt  }
0x62: {  	_ =	shalt  }
0x63: {  	_ =	shalt  }
0x64: {  	_ =	shalt  }
0x65: {  	_ =	shalt  }
0x66: {  	_ =	shalt  }
0x67: {  	_ =	shalt  }
0x68: {  	_ =	shalt  }
0x69: {  	_ =	shalt  }
0x6a: {  	_ =	shalt  }
0x6b: {  	_ =	shalt  }
0x6c: {  	_ =	shalt  }
0x6d: {  	_ =	shalt  }
0x6e: {  	_ =	shalt  }
0x6f: {  	_ =	shalt  }
0x70: {  	_ =	shalt  }
0x71: {  	_ =	shalt  }
0x72: {  	_ =	shalt  }
0x73: {  	_ =	shalt  }
0x74: {  	_ =	shalt  }
0x75: {  	_ =	shalt  }
0x76: {  	_ =	shalt  }
0x77: {  	_ =	shalt  }
0x78: {  	_ =	shalt  }
0x79: {  	_ =	shalt  }
0x7a: {  	_ =	shalt  }
0x7b: {  	_ =	shalt  }
0x7c: {  	_ =	shalt  }
0x7d: {  	_ =	shalt  }
0x7e: {  	_ =	shalt  }
0x7f: {  	_ =	shalt  }
0x80: {  	_ =	shalt  }
0x81: {  	_ =	shalt  }
0x82: {  	_ =	shalt  }
0x83: {  	_ =	shalt  }
0x84: {  	_ =	shalt  }
0x85: {  	_ =	shalt  }
0x86: {  	_ =	shalt  }
0x87: {  	_ =	shalt  }
.Lfunc_end0:
.L_simem_size_0:
called_computation_lowered:
.L_overlay_start_0:
0x88: {  	s2 =	sld [smem:$0x3FD9]  }
0x89: {  	s3 =	sld [smem:$0x3FFE];
	_ =	sdelay $0x1  }
0x8a: {  	s1 =	srdreg.scid  }
0x8b: {  	s0 =	sand.u32 $0x1, s1  }
0x8c: {  	s17 =	sshll.u32 s0, $0xA;
	s2 =	sadd.s32 s3, s2  }
0x8d: {  	s2 =	sadd.s32 s2, s17  }
0x8e: {  	[smem:$0x3FBC] =	sst s2  }
0x8f: {  	_ = 	snop  }
0x90: {  	s2 =	sld [smem:$0x3FD0];
	(tm) =	ssettm $0x1  }
0x91: {  	s18 =	sld [smem:$0x3FFB];
	_ =	sdelay $0x3  }
0x92: {  	_ =	strace s18  }
0x93: {  	s3 =	sld [smem:$0x3FFC];
	_ =	sdelay $0x3  }
0x94: {  	_ =	strace s3  }
0x95: {  	s3 =	sld [smem:$0x3FFD];
	_ =	sdelay $0x3  }
0x96: {  	_ =	strace s3  }
0x97: {  	_ =	strace $0x8FFFFFFF  }
0x98: {  	s19 =	sld [smem:$0x3FDB];
	_ =	sdelay $0x1  }
0x99: {  	s4 =	simm.s32 $_scs_section_size  }
0x9a: {  	s5 =	simm.s32 $_size__tile_overlayer_lowered;
	s6 =	simm.s32 $_tile_overlayer_lowered  }
0x9b: {  	s22 =	simm.s32 $0x1BFF;
	s21 =	sshll.u32 s6, $0x1;
	s3 =	sadd.s32 s4, s19  }
0x9c: {  	s7 =	simm.s32 $0x0;
	s20 =	sshll.u32 s5, $0x1;
	s5 =	sadd.s32 s21, s3  }
0x9d: {  	[timem:s7], [sflag:s22] =	dma.local [hbm:s5], s20  }
0x9e: {  	_ =	swait.ge [sflag:s22], s20  }
0x9f: {  	s4 =	ssub.s32 $0x0, s20;
	[sflag:s22] =	ssyncset.done $0x0  }
0xa0: {  	[sflag:s22] =	ssyncadd.s32 s4;
	_ =	sdelay $0x1  }
0xa1: {  	s23 =	simm.s32 $0x1B8B  }
0xa2: {  	_ =	swait.ge [sflag:s23], $0x1  }
0xa3: {  	[sflag:s23] =	ssyncset.done $0x0  }
0xa4: {  	s25 =	simm.s32 $0x1B8E;
	s24 =	sld [smem:$0x3FFE];
	[sflag:s23] =	ssyncadd.s32 $0xFFFFFFFF  }
0xa5: {  	s26 =	simm.s32 $execute0_lowered;
	[smem:$0x3FD2] =	sst s25  }
0xa6: {  	s5 =	sshll.u32 s26, $0x1;
	_ =	strace $0x80000046;
	[dreg:$0x1] =	wrdreg $0xFFFFFFFF  }
0xa7: {  	s28 =	simm.s32 $_size_execute0_lowered;
	s3 =	sadd.s32 s3, s5;
	[dreg:$0x0] =	wrdreg $0x0  }
0xa8: {  	s5 =	sshll.u32 s28, $0x1;
	[dreg:$0x2] =	wrdreg s3  }
0xa9: {  	[dreg:$0x3] =	wrdreg s5  }
0xaa: {  	[dreg:$0x4] =	wrdreg $0xC0  }
0xab: {  	_ =	task [dreg:s7], $0x5FFFF  }
0xac: {  	[dreg:$0x1] =	wrdreg $0xFFFFFFFF  }
0xad: {  	[dreg:$0x0] =	wrdreg $0x60  }
0xae: {  	[dreg:$0x2] =	wrdreg s2  }
0xaf: {  	[dreg:$0x3] =	wrdreg s24  }
0xb0: {  	[dreg:$0x4] =	wrdreg $0x145000  }
0xb1: {  	[dreg:$0x5] =	wrdreg $0x9  }
0xb2: {  	_ =	task.clear_ibuf [dreg:s7], $0x6FFFF;
	_ =	strace $0x90000046  }
0xb3: {  	s29 =	simm.s32 $0x9;
	_ =	strace $0x80000048  }
0xb4: {  	_ =	swait.ge [sflag:s29], $0x1  }
0xb5: {  	[sflag:s29] =	ssyncadd.s32 $0xFFFFFFFF  }
0xb6: {  	_ =	strace $0x90000048  }
0xb7: {  	_ =	sfence  }
0xb8: {  	s30 =	sld [smem:$0x0];
	_ =	sdelay $0x2  }
0xb9: {  	s31 =	sshll.u32 s1, $0xD;
	s1 =	sshrl.u32 s1, $0x2  }
0xba: {  	s3 =	sand.u32 $0x4000, s31;
	s1 =	sadd.s32 s1, s30  }
0xbb: {  	s0 =	sor.u32 s3, s0;
	s1 =	sshll.u32 s1, $0x11  }
0xbc: {  	s0 =	sor.u32 s1, s0  }
0xbd: {  	s0 =	sadd.s32 $0x8F2B, s0  }
0xbe: {  	[sflag:s0] =	ssyncadd.remote.s32 $0x1  }
0xbf: {  	_ =	sfence.sel $0xFFFF  }
0xc0: {  	[dreg:$0x0] =	wrdreg $0xFFFFFFFF;
	(pc) =	sbr.abs _section_cstart, $3  }
0xc1: {  	[dreg:$0x1] =	wrdreg $0xFFFFFFFF  }
0xc2: {  	_ =	task.clear_ibuf [dreg:s7], $0x2FFFF;
	_ =	strace $0x9FFFFFFF  }
0xc3: {  	(tm) =	ssettm $0x7FFFFFFF  }
tec
execute0_lowered:
.L_overlay_start_1:
0x0: {  	(tag) =	ssettag $0x1  }
0x1: {  	s0 =	rddreg [dreg:$0x0]  }
0x2: {  	s26 =	srdreg.scid;
	s2 =	rddreg [dreg:$0x1]  }
0x3: {  	s3 =	stileid.u32;
	s5 =	rddreg [dreg:$0x2];
	s1 =	simm.s32 $0x0  }
0x4: {  	s9 =	simm.s32 $0x2500;
	s10 =	simm.s32 $0x100;
	s11 =	simm.s32 $0x4500  }
0x5: {  	s12 =	simm.s32 $0x180;
	s13 =	simm.s32 $0x6500;
	s14 =	simm.s32 $0x200  }
0x6: {  	s15 =	simm.s32 $0x8500;
	s16 =	simm.s32 $0x280;
	s17 =	simm.s32 $0xA500  }
0x7: {  	s18 =	simm.s32 $0x300;
	s4 =	sand.u32 $0x1, s26;
	s28 =	sshll.u32 s3, $0x1  }
0x8: {  	s19 =	simm.s32 $0xC500;
	s6 =	sor.u32 s4, s28;
	s4 =	ssub.s32 $0x2, s4  }
0x9: {  	s20 =	simm.s32 $0x380;
	s21 =	simm.s32 $0xE500;
	s8 =	sshrl.u32 s4, $0x1  }
0xa: {  	s22 =	simm.s32 $0x400;
	s24 =	simm.s32 $0x10500;
	s4 =	ssub.s32 s4, s8  }
0xb: {  	s25 =	simm.s32 $0x480;
	[dreg:$0x4] =	wrdreg s0;
	s29 =	smax.u32 s4, $0x1  }
0xc: {  	p1 =	por $0x0, $0x0;
	s0 =	rddreg [dreg:$0x3];
	s30 =	sadd.s32 $0xFFFFFFFF, s29  }
0xd: {  	[smem:$0x7FF] =	sst s1;
	s7 =	smul.u32 $0xA0, s6;
	p2 =	sne.s32 s30, $0x0  }
.Ltmp0:
0xe: {  	p0 =	sne.s32 s3, $0x0;
	s3 =	simm.s32 $0x2;
	(pc) =	sbr.rel @!p2 .LBB2_3-.Ltmp0, $4  }
0xf: {  	s26 =	simm.s32 $0x12500;
	_ =	strace $0x80000047;
	s6 =	smul.u32 $0x2800, s6  }
0x10: {  	s23 =	sshrl.u32 @!p0 s5, $0x3;
	s31 =	rddreg [dreg:$0x4];
	s7 =	sadd.s32 s7, s2  }
0x11: {  	s2 =	sadd.s32 s6, s2;
	s4 =	simm.s32 $0x500;
	s6 =	simm.s32 $0x1  }
0x12: {  	s8 =	sadd.s32 $0x1600, s7;
	s2 =	sadd.s32 $0x2A00, s2;
	s7 =	simm.s32 $0x80  }
0x13: {  	s28 =	simm.s32 @!p0 $0x1C02;
	s29 =	simm.s32 @!p0 $0x2  }
0x14: {  	[spmem:s23], [sflag:s28] =	dma.local @!p0 [hbm:s31], $0x9C40  }
0x15: {  	_ =	swait.ge @!p0 [sflag:s29], $0x9C40  }
0x16: {  	[sflag:s29] =	ssyncset.done @!p0 $0x0  }
0x17: {  	[sflag:s29] =	ssyncadd.s32 @!p0 $0xFFFF63C0  }
0x18: {  	[tilespmem:s1], [sflag:$0x2] =	stream.linear.gather [hbm4b:s8+s1], $0x500, $0x38;
	[tilespmem:$0x19320] =	vst v63  }
0x19: {  	_ =	swait.ge [sflag:s3], $0x500  }
0x1a: {  	[sflag:s3] =	ssyncset.done $0x0  }
0x1b: {  	[sflag:s3] =	ssyncadd.s32 $0xFFFFFB00  }
0x1c: {  	[bflag:$0x0] =	sbarrier.arrive $0xFFFF  }
0x1d: {  	[tilespmem:s4], [sflag:$0x1] =	stream.indirect.gather [spmem:s5], $0x40, s1, s7, $0xb8;
	[tilespmem:$0x19320] =	vst v63  }
0x1e: {  	_ = 	snop  }
0x1f: {  	[tilespmem:s9], [sflag:$0x1] =	stream.indirect.gather [spmem:s5], $0x40, s7, s7, $0xb8;
	[tilespmem:$0x19320] =	vst v63  }
0x20: {  	_ = 	snop  }
0x21: {  	[tilespmem:s11], [sflag:$0x1] =	stream.indirect.gather [spmem:s5], $0x40, s10, s7, $0xb8;
	[tilespmem:$0x19320] =	vst v63  }
0x22: {  	_ = 	snop  }
0x23: {  	[tilespmem:s13], [sflag:$0x1] =	stream.indirect.gather [spmem:s5], $0x40, s12, s7, $0xb8;
	[tilespmem:$0x19320] =	vst v63  }
0x24: {  	_ = 	snop  }
0x25: {  	[tilespmem:s15], [sflag:$0x1] =	stream.indirect.gather [spmem:s5], $0x40, s14, s7, $0xb8;
	[tilespmem:$0x19320] =	vst v63  }
0x26: {  	_ = 	snop  }
0x27: {  	[tilespmem:s17], [sflag:$0x1] =	stream.indirect.gather [spmem:s5], $0x40, s16, s7, $0xb8;
	[tilespmem:$0x19320] =	vst v63  }
0x28: {  	_ = 	snop  }
0x29: {  	[tilespmem:s19], [sflag:$0x1] =	stream.indirect.gather [spmem:s5], $0x40, s18, s7, $0xb8;
	[tilespmem:$0x19320] =	vst v63  }
0x2a: {  	_ = 	snop  }
0x2b: {  	[tilespmem:s21], [sflag:$0x1] =	stream.indirect.gather [spmem:s5], $0x40, s20, s7, $0xb8;
	[tilespmem:$0x19320] =	vst v63  }
0x2c: {  	_ = 	snop  }
0x2d: {  	[tilespmem:s24], [sflag:$0x1] =	stream.indirect.gather [spmem:s5], $0x40, s22, s7, $0xb8;
	[tilespmem:$0x19320] =	vst v63  }
0x2e: {  	_ = 	snop  }
0x2f: {  	[tilespmem:s26], [sflag:$0x1] =	stream.indirect.gather [spmem:s5], $0x40, s25, s7, $0xb8;
	[tilespmem:$0x19320] =	vst v63  }
0x30: {  	_ =	swait.ge [sflag:s6], $0x2000  }
0x31: {  	[sflag:s6] =	ssyncset.done $0x0  }
0x32: {  	[sflag:s6] =	ssyncadd.s32 $0xFFFFE000  }
0x33: {  	_ =	swait.ge [sflag:s6], $0x2000  }
0x34: {  	[sflag:s6] =	ssyncset.done $0x0  }
0x35: {  	[sflag:s6] =	ssyncadd.s32 $0xFFFFE000  }
0x36: {  	_ =	swait.ge [sflag:s6], $0x2000  }
0x37: {  	[sflag:s6] =	ssyncset.done $0x0  }
0x38: {  	[sflag:s6] =	ssyncadd.s32 $0xFFFFE000  }
0x39: {  	_ =	swait.ge [sflag:s6], $0x2000  }
0x3a: {  	[sflag:s6] =	ssyncset.done $0x0  }
0x3b: {  	[sflag:s6] =	ssyncadd.s32 $0xFFFFE000  }
0x3c: {  	_ =	swait.ge [sflag:s6], $0x2000  }
0x3d: {  	[sflag:s6] =	ssyncset.done $0x0  }
0x3e: {  	[sflag:s6] =	ssyncadd.s32 $0xFFFFE000  }
0x3f: {  	_ =	swait.ge [sflag:s6], $0x2000  }
0x40: {  	[sflag:s6] =	ssyncset.done $0x0  }
0x41: {  	[sflag:s6] =	ssyncadd.s32 $0xFFFFE000  }
0x42: {  	_ =	swait.ge [sflag:s6], $0x2000  }
0x43: {  	[sflag:s6] =	ssyncset.done $0x0  }
0x44: {  	[sflag:s6] =	ssyncadd.s32 $0xFFFFE000  }
0x45: {  	_ =	swait.ge [sflag:s6], $0x2000  }
0x46: {  	[sflag:s6] =	ssyncset.done $0x0  }
0x47: {  	[sflag:s6] =	ssyncadd.s32 $0xFFFFE000  }
0x48: {  	_ =	swait.ge [sflag:s6], $0x2000  }
0x49: {  	[sflag:s6] =	ssyncset.done $0x0  }
0x4a: {  	s30 =	sadd.s32 $0xFFFFFFFF, s30;
	[sflag:s6] =	ssyncadd.s32 $0xFFFFE000  }
0x4b: {  	p2 =	sne.s32 s30, $0x0;
	_ =	swait.ge [sflag:s6], $0x2000  }
.Ltmp1:
0x4c: {  	[sflag:s6] =	ssyncset.done $0x0;
	(pc) =	sbr.rel @!p2 .LBB2_3-.Ltmp1, $4  }
0x4d: {  	[sflag:s6] =	ssyncadd.s32 $0xFFFFE000  }
0x4e: {  	[hbm4b:s2+s1] =	stream.linear.scatter [tilespmem:s4], [sflag:$0x2], $0x14000, $0x38;
	[tilespmem:$0x19320] =	vst v63  }
0x4f: {  	_ =	swait.ge [sflag:s3], $0x14000  }
0x50: {  	p1 =	por $0x1, $0x1;
	s31 =	rddreg [dreg:$0x4];
	[sflag:s3] =	ssyncset.done $0x0  }
.LBB2_2:
0x51: {  	[sflag:s3] =	ssyncadd.s32 $0xFFFEC000  }
0x52: {  	[spmem:s23], [sflag:s28] =	dma.local @!p0 [hbm:s31], $0x9C40  }
0x53: {  	_ =	swait.ge @!p0 [sflag:s29], $0x9C40  }
0x54: {  	[sflag:s29] =	ssyncset.done @!p0 $0x0  }
0x55: {  	[sflag:s29] =	ssyncadd.s32 @!p0 $0xFFFF63C0  }
0x56: {  	[tilespmem:s1], [sflag:$0x2] =	stream.linear.gather [hbm4b:s8+s1], $0x500, $0x38;
	[tilespmem:$0x19320] =	vst v63  }
0x57: {  	_ =	swait.ge [sflag:s3], $0x500  }
0x58: {  	[sflag:s3] =	ssyncset.done $0x0  }
0x59: {  	[sflag:s3] =	ssyncadd.s32 $0xFFFFFB00  }
0x5a: {  	[bflag:$0x0] =	sbarrier.arrive $0xFFFF  }
0x5b: {  	[tilespmem:s4], [sflag:$0x1] =	stream.indirect.gather [spmem:s5], $0x40, s1, s7, $0xb8;
	[tilespmem:$0x19320] =	vst v63  }
0x5c: {  	_ = 	snop  }
0x5d: {  	[tilespmem:s9], [sflag:$0x1] =	stream.indirect.gather [spmem:s5], $0x40, s7, s7, $0xb8;
	[tilespmem:$0x19320] =	vst v63  }
0x5e: {  	_ = 	snop  }
0x5f: {  	[tilespmem:s11], [sflag:$0x1] =	stream.indirect.gather [spmem:s5], $0x40, s10, s7, $0xb8;
	[tilespmem:$0x19320] =	vst v63  }
0x60: {  	_ = 	snop  }
0x61: {  	[tilespmem:s13], [sflag:$0x1] =	stream.indirect.gather [spmem:s5], $0x40, s12, s7, $0xb8;
	[tilespmem:$0x19320] =	vst v63  }
0x62: {  	_ = 	snop  }
0x63: {  	[tilespmem:s15], [sflag:$0x1] =	stream.indirect.gather [spmem:s5], $0x40, s14, s7, $0xb8;
	[tilespmem:$0x19320] =	vst v63  }
0x64: {  	_ = 	snop  }
0x65: {  	[tilespmem:s17], [sflag:$0x1] =	stream.indirect.gather [spmem:s5], $0x40, s16, s7, $0xb8;
	[tilespmem:$0x19320] =	vst v63  }
0x66: {  	_ = 	snop  }
0x67: {  	[tilespmem:s19], [sflag:$0x1] =	stream.indirect.gather [spmem:s5], $0x40, s18, s7, $0xb8;
	[tilespmem:$0x19320] =	vst v63  }
0x68: {  	_ = 	snop  }
0x69: {  	[tilespmem:s21], [sflag:$0x1] =	stream.indirect.gather [spmem:s5], $0x40, s20, s7, $0xb8;
	[tilespmem:$0x19320] =	vst v63  }
0x6a: {  	_ = 	snop  }
0x6b: {  	[tilespmem:s24], [sflag:$0x1] =	stream.indirect.gather [spmem:s5], $0x40, s22, s7, $0xb8;
	[tilespmem:$0x19320] =	vst v63  }
0x6c: {  	_ = 	snop  }
0x6d: {  	[tilespmem:s26], [sflag:$0x1] =	stream.indirect.gather [spmem:s5], $0x40, s25, s7, $0xb8;
	[tilespmem:$0x19320] =	vst v63  }
0x6e: {  	_ =	swait.ge [sflag:s6], $0x2000  }
0x6f: {  	[sflag:s6] =	ssyncset.done $0x0  }
0x70: {  	[sflag:s6] =	ssyncadd.s32 $0xFFFFE000  }
0x71: {  	_ =	swait.ge [sflag:s6], $0x2000  }
0x72: {  	[sflag:s6] =	ssyncset.done $0x0  }
0x73: {  	[sflag:s6] =	ssyncadd.s32 $0xFFFFE000  }
0x74: {  	_ =	swait.ge [sflag:s6], $0x2000  }
0x75: {  	[sflag:s6] =	ssyncset.done $0x0  }
0x76: {  	[sflag:s6] =	ssyncadd.s32 $0xFFFFE000  }
0x77: {  	_ =	swait.ge [sflag:s6], $0x2000  }
0x78: {  	[sflag:s6] =	ssyncset.done $0x0  }
0x79: {  	[sflag:s6] =	ssyncadd.s32 $0xFFFFE000  }
0x7a: {  	_ =	swait.ge [sflag:s6], $0x2000  }
0x7b: {  	[sflag:s6] =	ssyncset.done $0x0  }
0x7c: {  	[sflag:s6] =	ssyncadd.s32 $0xFFFFE000  }
0x7d: {  	_ =	swait.ge [sflag:s6], $0x2000  }
0x7e: {  	[sflag:s6] =	ssyncset.done $0x0  }
0x7f: {  	[sflag:s6] =	ssyncadd.s32 $0xFFFFE000  }
0x80: {  	_ =	swait.ge [sflag:s6], $0x2000  }
0x81: {  	[sflag:s6] =	ssyncset.done $0x0  }
0x82: {  	[sflag:s6] =	ssyncadd.s32 $0xFFFFE000  }
0x83: {  	_ =	swait.ge [sflag:s6], $0x2000  }
0x84: {  	[sflag:s6] =	ssyncset.done $0x0  }
0x85: {  	[sflag:s6] =	ssyncadd.s32 $0xFFFFE000  }
0x86: {  	_ =	swait.ge [sflag:s6], $0x2000  }
0x87: {  	[sflag:s6] =	ssyncset.done $0x0  }
0x88: {  	s30 =	sadd.s32 $0xFFFFFFFF, s30;
	[sflag:s6] =	ssyncadd.s32 $0xFFFFE000  }
0x89: {  	p2 =	sne.s32 s30, $0x0;
	_ =	swait.ge [sflag:s6], $0x2000  }
.Ltmp2:
0x8a: {  	[sflag:s6] =	ssyncset.done $0x0;
	(pc) =	sbr.rel @p2 .LBB2_2-.Ltmp2, $4  }
0x8b: {  	[sflag:s6] =	ssyncadd.s32 $0xFFFFE000  }
0x8c: {  	[hbm4b:s2+s1] =	stream.linear.scatter [tilespmem:s4], [sflag:$0x2], $0x14000, $0x38;
	[tilespmem:$0x19320] =	vst v63  }
0x8d: {  	_ =	swait.ge [sflag:s3], $0x14000  }
0x8e: {  	s31 =	rddreg [dreg:$0x4];
	[sflag:s3] =	ssyncset.done $0x0  }
.LBB2_3:
0x8f: {  	[sflag:s3] =	ssyncadd.s32 @p1 $0xFFFEC000;
	s28 =	simm.s32 @!p0 $0x1C02  }
0x90: {  	[spmem:s23], [sflag:s28] =	dma.local @!p0 [hbm:s31], $0x9C40  }
0x91: {  	s23 =	simm.s32 @!p0 $0x2  }
0x92: {  	_ =	swait.ge @!p0 [sflag:s23], $0x9C40  }
0x93: {  	[sflag:s23] =	ssyncset.done @!p0 $0x0  }
0x94: {  	[sflag:s23] =	ssyncadd.s32 @!p0 $0xFFFF63C0  }
0x95: {  	[tilespmem:s1], [sflag:$0x2] =	stream.linear.gather [hbm4b:s8+s1], $0x500, $0x38;
	[tilespmem:$0x19320] =	vst v63  }
0x96: {  	_ =	swait.ge [sflag:s3], $0x500  }
0x97: {  	[sflag:s3] =	ssyncset.done $0x0  }
0x98: {  	[sflag:s3] =	ssyncadd.s32 $0xFFFFFB00  }
0x99: {  	[bflag:$0x0] =	sbarrier.arrive $0xFFFF  }
0x9a: {  	[tilespmem:s4], [sflag:$0x1] =	stream.indirect.gather [spmem:s5], $0x40, s1, s7, $0xb8;
	[tilespmem:$0x19320] =	vst v63  }
0x9b: {  	_ = 	snop  }
0x9c: {  	[tilespmem:s9], [sflag:$0x1] =	stream.indirect.gather [spmem:s5], $0x40, s7, s7, $0xb8;
	[tilespmem:$0x19320] =	vst v63  }
0x9d: {  	_ = 	snop  }
0x9e: {  	[tilespmem:s11], [sflag:$0x1] =	stream.indirect.gather [spmem:s5], $0x40, s10, s7, $0xb8;
	[tilespmem:$0x19320] =	vst v63  }
0x9f: {  	_ = 	snop  }
0xa0: {  	[tilespmem:s13], [sflag:$0x1] =	stream.indirect.gather [spmem:s5], $0x40, s12, s7, $0xb8;
	[tilespmem:$0x19320] =	vst v63  }
0xa1: {  	_ = 	snop  }
0xa2: {  	[tilespmem:s15], [sflag:$0x1] =	stream.indirect.gather [spmem:s5], $0x40, s14, s7, $0xb8;
	[tilespmem:$0x19320] =	vst v63  }
0xa3: {  	_ = 	snop  }
0xa4: {  	[tilespmem:s17], [sflag:$0x1] =	stream.indirect.gather [spmem:s5], $0x40, s16, s7, $0xb8;
	[tilespmem:$0x19320] =	vst v63  }
0xa5: {  	_ = 	snop  }
0xa6: {  	[tilespmem:s19], [sflag:$0x1] =	stream.indirect.gather [spmem:s5], $0x40, s18, s7, $0xb8;
	[tilespmem:$0x19320] =	vst v63  }
0xa7: {  	_ = 	snop  }
0xa8: {  	[tilespmem:s21], [sflag:$0x1] =	stream.indirect.gather [spmem:s5], $0x40, s20, s7, $0xb8;
	[tilespmem:$0x19320] =	vst v63  }
0xa9: {  	_ = 	snop  }
0xaa: {  	[tilespmem:s24], [sflag:$0x1] =	stream.indirect.gather [spmem:s5], $0x40, s22, s7, $0xb8;
	[tilespmem:$0x19320] =	vst v63  }
0xab: {  	_ = 	snop  }
0xac: {  	[tilespmem:s26], [sflag:$0x1] =	stream.indirect.gather [spmem:s5], $0x40, s25, s7, $0xb8;
	[tilespmem:$0x19320] =	vst v63  }
0xad: {  	_ =	swait.ge [sflag:s6], $0x2000  }
0xae: {  	[sflag:s6] =	ssyncset.done $0x0  }
0xaf: {  	[sflag:s6] =	ssyncadd.s32 $0xFFFFE000  }
0xb0: {  	_ =	swait.ge [sflag:s6], $0x2000  }
0xb1: {  	[sflag:s6] =	ssyncset.done $0x0  }
0xb2: {  	[sflag:s6] =	ssyncadd.s32 $0xFFFFE000  }
0xb3: {  	_ =	swait.ge [sflag:s6], $0x2000  }
0xb4: {  	[sflag:s6] =	ssyncset.done $0x0  }
0xb5: {  	[sflag:s6] =	ssyncadd.s32 $0xFFFFE000  }
0xb6: {  	_ =	swait.ge [sflag:s6], $0x2000  }
0xb7: {  	[sflag:s6] =	ssyncset.done $0x0  }
0xb8: {  	[sflag:s6] =	ssyncadd.s32 $0xFFFFE000  }
0xb9: {  	_ =	swait.ge [sflag:s6], $0x2000  }
0xba: {  	[sflag:s6] =	ssyncset.done $0x0  }
0xbb: {  	[sflag:s6] =	ssyncadd.s32 $0xFFFFE000  }
0xbc: {  	_ =	swait.ge [sflag:s6], $0x2000  }
0xbd: {  	[sflag:s6] =	ssyncset.done $0x0  }
0xbe: {  	[sflag:s6] =	ssyncadd.s32 $0xFFFFE000  }
0xbf: {  	_ =	swait.ge [sflag:s6], $0x2000  }
0xc0: {  	[sflag:s6] =	ssyncset.done $0x0  }
0xc1: {  	[sflag:s6] =	ssyncadd.s32 $0xFFFFE000  }
0xc2: {  	_ =	swait.ge [sflag:s6], $0x2000  }
0xc3: {  	[sflag:s6] =	ssyncset.done $0x0  }
0xc4: {  	[sflag:s6] =	ssyncadd.s32 $0xFFFFE000  }
0xc5: {  	_ =	swait.ge [sflag:s6], $0x2000  }
0xc6: {  	[sflag:s6] =	ssyncset.done $0x0  }
0xc7: {  	[sflag:s6] =	ssyncadd.s32 $0xFFFFE000  }
0xc8: {  	_ =	swait.ge [sflag:s6], $0x2000  }
0xc9: {  	[sflag:s6] =	ssyncset.done $0x0  }
0xca: {  	[sflag:s6] =	ssyncadd.s32 $0xFFFFE000  }
0xcb: {  	[hbm4b:s2+s1] =	stream.linear.scatter [tilespmem:s4], [sflag:$0x2], $0x14000, $0x38;
	[tilespmem:$0x19320] =	vst v63  }
0xcc: {  	_ =	swait.ge [sflag:s3], $0x14000  }
0xcd: {  	[sflag:s3] =	ssyncset.done $0x0  }
0xce: {  	[sflag:s3] =	ssyncadd.s32 $0xFFFEC000  }
0xcf: {  	_ =	sfence.sel $0x180000  }
0xd0: {  	[bflag:$0x0] =	sbarrier.arrive $0xFFFF  }
0xd1: {  	_ =	strace $0x90000047  }
0xd2: {  	s0 =	sadd.s32 @!p0 $0x100000, s0;
	[bflag:$0x2] =	sbarrier.arrive $0xFFFF  }
0xd3: {  	[sflag:s0] =	ssyncadd.tile.s32 @!p0 $0x1;
	_ =	shalt  }
.Lfunc_end2:
_tile_overlayer_lowered:
.L_overlay_start_2:
0xd4: {  	(tag) =	ssettag $0x2  }
0xd5: {  	s0 =	rddreg [dreg:$0x0];
	s2 =	stileid.u32  }
0xd6: {  	s1 =	rddreg [dreg:$0x1];
	p0 =	sne.s32 s2, $0x0  }
0xd7: {  	s3 =	rddreg [dreg:$0x2];
	[bflag:$0x3] =	sbarrier.arrive $0xFFFF;
	s2 =	simm.s32 @!p0 $0x1C02  }
0xd8: {  	[timem:s3], [sflag:s2] =	dma.local @!p0 [hbm:s0], s1  }
0xd9: {  	s0 =	simm.s32 @!p0 $0x2  }
0xda: {  	_ =	swait.ge @!p0 [sflag:s0], s1  }
0xdb: {  	s1 =	ssub.s32 @!p0 $0x0, s1;
	[sflag:s0] =	ssyncset.done @!p0 $0x0  }
0xdc: {  	[sflag:s0] =	ssyncadd.s32 @!p0 s1  }
0xdd: {  	[bflag:$0x3] =	sbarrier.arrive $0xFFFF  }
0xde: {  	_ =	shalt  }

// kernel: kernel.9.cloned.1.call-start
scs
__scs_entry_jumppad:
0x0: {  	(pc) =	sbr.rel $0x88, $3  }
0x1: {  	(tag) =	ssettag $0x0;
	lr =	simm.s32 $0x1  }
0x2: {  	[smem:$0x3F95] =	sst lr;
	_ =	strace $0xD0000000  }
0x3: {  	_ = 	snop  }
0x4: {  	_ = 	snop  }
0x5: {  	_ = 	snop  }
0x6: {  	_ = 	snop  }
0x7: {  	_ = 	snop  }
__scs_overlays_trampoline_lowered:
0x8: {  	[smem:$0x3FA4] =	sst s0  }
0x9: {  	[smem:$0x3FA5] =	sst s1  }
0xa: {  	[smem:$0x3FA6] =	sst s2  }
0xb: {  	[smem:$0x3FA7] =	sst s3  }
0xc: {  	[smem:$0x3FA8] =	sst s4  }
0xd: {  	[smem:$0x3FA9] =	sst s5  }
0xe: {  	[smem:$0x3FAA] =	sst s6  }
0xf: {  	[smem:$0x3FAB] =	sst s7  }
0x10: {  	[smem:$0x3FAC] =	sst s8  }
0x11: {  	[smem:$0x3FAD] =	sst s9;
	s0 =	simm.s32 @!p0 $0x0  }
0x12: {  	s1 =	sld [smem:$0x3F93];
	s0 =	simm.s32 @p0 $0x1  }
0x13: {  	[smem:$0x3FAE] =	sst s0;
	s0 =	simm.s32 @!p1 $0x0  }
0x14: {  	s2 =	sld [smem:$0x3F92];
	s0 =	simm.s32 @p1 $0x1  }
0x15: {  	[smem:$0x3FAF] =	sst s0;
	s0 =	simm.s32 @!p2 $0x0  }
0x16: {  	s3 =	sld [smem:$0x3FDB];
	s0 =	simm.s32 @p2 $0x1  }
0x17: {  	s4 =	simm.s32 $0x1BF5;
	[smem:$0x3FB1] =	sst s0  }
0x18: {  	s0 =	sld [smem:$0x3F94];
	_ =	swait.ge [sflag:s4], $0x0  }
0x19: {  	s7 =	sld [smem:$0x3F95]  }
0x1a: {  	s8 =	sadd.s32 $0xFFFFE003, lr  }
0x1b: {  	s9 =	sadd.s32 $0xFFFFFEF7, lr;
	s5 =	simm.s32 $0xFFFFFFFF;
	p2 =	slt.u32 s8, $0xFFFFF086  }
0x1c: {  	p1 =	slt.u32 s9, $0xF7A;
	s5 =	simm.s32 @!p2 $0x0  }
0x1d: {  	s5 =	simm.s32 @p1 $0x1;
	p0 =	seq.s32 s7, s2  }
0x1e: {  	s7 =	smul.u32 @!p0 $0xF7A, s2;
	p2 =	seq.s32 @!p0 s5, $0x0  }
0x1f: {  	s9 =	smul.u32 $0xF7A, s1;
	s8 =	simm.s32 @!p0 $0x1BF5;
	p2 =	por !p2, p0  }
0x20: {  	[sflag:s8] =	ssyncset.s32 @!p0 $0xFFFFF086;
	s6 =	sadd.s32 @!p0 s3, s7;
	s7 =	simm.s32 @!p0 $0x108  }
0x21: {  	s3 =	sadd.s32 s3, s9;
	s6 =	sadd.s32 @!p0 $0x88, s6;
	s7 =	simm.s32 @p2 $0x1082  }
0x22: {  	[simem:s7], [sflag:s8] =	dma.local @!p0 [hbm:s6], $0xF7A  }
0x23: {  	s9 =	sor.u32 $0xD0000000, s2;
	s6 =	simm.s32 $0x108;
	_ =	swait.ge @!p0 [sflag:s8], $0x0  }
0x24: {  	s3 =	sadd.s32 $0x88, s3;
	s6 =	simm.s32 @!p1 $0x1082;
	[sflag:s4] =	ssyncset.s32 $0xFFFFF086  }
0x25: {  	[simem:s6], [sflag:s4] =	dma.local [hbm:s3], $0xF7A  }
0x26: {  	[smem:$0x3F95] =	sst s1;
	(tag) =	ssettag s2;
	_ =	strace s9  }
0x27: {  	s1 =	sld [smem:$0x3FA5]  }
0x28: {  	s2 =	sld [smem:$0x3FA6]  }
0x29: {  	s4 =	sld [smem:$0x3FA8]  }
0x2a: {  	p0 =	seq.s32 s5, $0x0;
	s5 =	sld [smem:$0x3FA9]  }
0x2b: {  	s6 =	sld [smem:$0x3FAA]  }
0x2c: {  	s7 =	sld [smem:$0x3FAB]  }
0x2d: {  	s3 =	simm.s32 $0x108;
	s8 =	sld [smem:$0x3FAC]  }
0x2e: {  	s3 =	simm.s32 @!p0 $0x1082;
	s9 =	sld [smem:$0x3FAD]  }
0x2f: {  	lr =	sadd.s32 s0, s3;
	s0 =	sld [smem:$0x3FA4]  }
0x30: {  	s3 =	sld [smem:$0x3FA7]  }
0x31: {  	[smem:$0x3FB0] =	sst s10  }
0x32: {  	s10 =	sld [smem:$0x3FAE];
	_ =	sdelay $0x3  }
0x33: {  	p0 =	seq.s32 s10, $0x1;
	s10 =	sld [smem:$0x3FB0];
	_ =	sdelay $0x3  }
0x34: {  	[smem:$0x3FB0] =	sst s10  }
0x35: {  	s10 =	sld [smem:$0x3FAF];
	_ =	sdelay $0x3  }
0x36: {  	p1 =	seq.s32 s10, $0x1;
	s10 =	sld [smem:$0x3FB0];
	_ =	sdelay $0x3  }
0x37: {  	[smem:$0x3FB0] =	sst s10  }
0x38: {  	s10 =	sld [smem:$0x3FB1]  }
0x39: {  	_ = 	snop;
	(pc) =	sbr.ind lr, $3  }
0x3a: {  	_ = 	snop  }
0x3b: {  	_ = 	snop  }
0x3c: {  	p2 =	seq.s32 s10, $0x1;
	s10 =	sld [smem:$0x3FB0]  }
0x3d: {  	_ =	shalt  }
0x3e: {  	_ =	shalt  }
0x3f: {  	_ =	shalt  }
0x40: {  	_ =	shalt  }
0x41: {  	_ =	shalt  }
0x42: {  	_ =	shalt  }
0x43: {  	_ =	shalt  }
0x44: {  	_ =	shalt  }
0x45: {  	_ =	shalt  }
0x46: {  	_ =	shalt  }
0x47: {  	_ =	shalt  }
0x48: {  	_ =	shalt  }
0x49: {  	_ =	shalt  }
0x4a: {  	_ =	shalt  }
0x4b: {  	_ =	shalt  }
0x4c: {  	_ =	shalt  }
0x4d: {  	_ =	shalt  }
0x4e: {  	_ =	shalt  }
0x4f: {  	_ =	shalt  }
0x50: {  	_ =	shalt  }
0x51: {  	_ =	shalt  }
0x52: {  	_ =	shalt  }
0x53: {  	_ =	shalt  }
0x54: {  	_ =	shalt  }
0x55: {  	_ =	shalt  }
0x56: {  	_ =	shalt  }
0x57: {  	_ =	shalt  }
0x58: {  	_ =	shalt  }
0x59: {  	_ =	shalt  }
0x5a: {  	_ =	shalt  }
0x5b: {  	_ =	shalt  }
0x5c: {  	_ =	shalt  }
0x5d: {  	_ =	shalt  }
0x5e: {  	_ =	shalt  }
0x5f: {  	_ =	shalt  }
0x60: {  	_ =	shalt  }
0x61: {  	_ =	shalt  }
0x62: {  	_ =	shalt  }
0x63: {  	_ =	shalt  }
0x64: {  	_ =	shalt  }
0x65: {  	_ =	shalt  }
0x66: {  	_ =	shalt  }
0x67: {  	_ =	shalt  }
0x68: {  	_ =	shalt  }
0x69: {  	_ =	shalt  }
0x6a: {  	_ =	shalt  }
0x6b: {  	_ =	shalt  }
0x6c: {  	_ =	shalt  }
0x6d: {  	_ =	shalt  }
0x6e: {  	_ =	shalt  }
0x6f: {  	_ =	shalt  }
0x70: {  	_ =	shalt  }
0x71: {  	_ =	shalt  }
0x72: {  	_ =	shalt  }
0x73: {  	_ =	shalt  }
0x74: {  	_ =	shalt  }
0x75: {  	_ =	shalt  }
0x76: {  	_ =	shalt  }
0x77: {  	_ =	shalt  }
0x78: {  	_ =	shalt  }
0x79: {  	_ =	shalt  }
0x7a: {  	_ =	shalt  }
0x7b: {  	_ =	shalt  }
0x7c: {  	_ =	shalt  }
0x7d: {  	_ =	shalt  }
0x7e: {  	_ =	shalt  }
0x7f: {  	_ =	shalt  }
0x80: {  	_ =	shalt  }
0x81: {  	_ =	shalt  }
0x82: {  	_ =	shalt  }
0x83: {  	_ =	shalt  }
0x84: {  	_ =	shalt  }
0x85: {  	_ =	shalt  }
0x86: {  	_ =	shalt  }
0x87: {  	_ =	shalt  }
.Lfunc_end0:
.L_simem_size_0:
called_computation.1_lowered:
.L_overlay_start_0:
0x88: {  	s2 =	sld [smem:$0x3FD9]  }
0x89: {  	s3 =	sld [smem:$0x3FFE];
	_ =	sdelay $0x1  }
0x8a: {  	s1 =	srdreg.scid  }
0x8b: {  	s0 =	sand.u32 $0x1, s1  }
0x8c: {  	s17 =	sshll.u32 s0, $0xA;
	s2 =	sadd.s32 s3, s2  }
0x8d: {  	s2 =	sadd.s32 s2, s17  }
0x8e: {  	[smem:$0x3FBC] =	sst s2  }
0x8f: {  	_ = 	snop  }
0x90: {  	s2 =	sld [smem:$0x3FD0];
	(tm) =	ssettm $0x1  }
0x91: {  	s18 =	sld [smem:$0x3FFB];
	_ =	sdelay $0x3  }
0x92: {  	_ =	strace s18  }
0x93: {  	s3 =	sld [smem:$0x3FFC];
	_ =	sdelay $0x3  }
0x94: {  	_ =	strace s3  }
0x95: {  	s3 =	sld [smem:$0x3FFD];
	_ =	sdelay $0x3  }
0x96: {  	_ =	strace s3  }
0x97: {  	_ =	strace $0x8FFFFFFF  }
0x98: {  	s19 =	sld [smem:$0x3FDB];
	_ =	sdelay $0x1  }
0x99: {  	s4 =	simm.s32 $_scs_section_size  }
0x9a: {  	s5 =	simm.s32 $_size__tile_overlayer_lowered;
	s6 =	simm.s32 $_tile_overlayer_lowered  }
0x9b: {  	s22 =	simm.s32 $0x1BFF;
	s21 =	sshll.u32 s6, $0x1;
	s3 =	sadd.s32 s4, s19  }
0x9c: {  	s7 =	simm.s32 $0x0;
	s20 =	sshll.u32 s5, $0x1;
	s5 =	sadd.s32 s21, s3  }
0x9d: {  	[timem:s7], [sflag:s22] =	dma.local [hbm:s5], s20  }
0x9e: {  	_ =	swait.ge [sflag:s22], s20  }
0x9f: {  	s4 =	ssub.s32 $0x0, s20;
	[sflag:s22] =	ssyncset.done $0x0  }
0xa0: {  	[sflag:s22] =	ssyncadd.s32 s4;
	_ =	sdelay $0x1  }
0xa1: {  	s23 =	simm.s32 $0x1B8B  }
0xa2: {  	_ =	swait.ge [sflag:s23], $0x1  }
0xa3: {  	[sflag:s23] =	ssyncset.done $0x0  }
0xa4: {  	s25 =	simm.s32 $0x1B8E;
	s24 =	sld [smem:$0x3FFE];
	[sflag:s23] =	ssyncadd.s32 $0xFFFFFFFF  }
0xa5: {  	s26 =	simm.s32 $execute0_lowered;
	[smem:$0x3FD2] =	sst s25  }
0xa6: {  	s5 =	sshll.u32 s26, $0x1;
	_ =	strace $0x80000049;
	[dreg:$0x1] =	wrdreg $0xFFFFFFFF  }
0xa7: {  	s28 =	simm.s32 $_size_execute0_lowered;
	s3 =	sadd.s32 s3, s5;
	[dreg:$0x0] =	wrdreg $0x0  }
0xa8: {  	s5 =	sshll.u32 s28, $0x1;
	[dreg:$0x2] =	wrdreg s3  }
0xa9: {  	[dreg:$0x3] =	wrdreg s5  }
0xaa: {  	[dreg:$0x4] =	wrdreg $0xC0  }
0xab: {  	_ =	task [dreg:s7], $0x5FFFF  }
0xac: {  	[dreg:$0x1] =	wrdreg $0xFFFFFFFF  }
0xad: {  	[dreg:$0x0] =	wrdreg $0x60  }
0xae: {  	[dreg:$0x2] =	wrdreg s24  }
0xaf: {  	[dreg:$0x3] =	wrdreg s2  }
0xb0: {  	[dreg:$0x4] =	wrdreg $0xA2800  }
0xb1: {  	[dreg:$0x5] =	wrdreg $0x9  }
0xb2: {  	_ =	task.clear_ibuf [dreg:s7], $0x6FFFF;
	_ =	strace $0x90000049  }
0xb3: {  	s29 =	simm.s32 $0x9;
	_ =	strace $0x8000004B  }
0xb4: {  	_ =	swait.ge [sflag:s29], $0x1  }
0xb5: {  	[sflag:s29] =	ssyncadd.s32 $0xFFFFFFFF  }
0xb6: {  	_ =	strace $0x9000004B  }
0xb7: {  	_ =	sfence  }
0xb8: {  	s30 =	sld [smem:$0x0];
	_ =	sdelay $0x2  }
0xb9: {  	s31 =	sshll.u32 s1, $0xD;
	s1 =	sshrl.u32 s1, $0x2  }
0xba: {  	s3 =	sand.u32 $0x4000, s31;
	s1 =	sadd.s32 s1, s30  }
0xbb: {  	s0 =	sor.u32 s3, s0;
	s1 =	sshll.u32 s1, $0x11  }
0xbc: {  	s0 =	sor.u32 s1, s0  }
0xbd: {  	s0 =	sadd.s32 $0x8F2B, s0  }
0xbe: {  	[sflag:s0] =	ssyncadd.remote.s32 $0x1  }
0xbf: {  	_ =	sfence.sel $0xFFFF  }
0xc0: {  	[dreg:$0x0] =	wrdreg $0xFFFFFFFF;
	(pc) =	sbr.abs _section_cstart, $3  }
0xc1: {  	[dreg:$0x1] =	wrdreg $0xFFFFFFFF  }
0xc2: {  	_ =	task.clear_ibuf [dreg:s7], $0x2FFFF;
	_ =	strace $0x9FFFFFFF  }
0xc3: {  	(tm) =	ssettm $0x7FFFFFFF  }
tec
execute0_lowered:
.L_overlay_start_1:
0x0: {  	(tag) =	ssettag $0x1  }
0x1: {  	s2 =	rddreg [dreg:$0x0]  }
0x2: {  	s0 =	srdreg.scid;
	s7 =	rddreg [dreg:$0x1]  }
0x3: {  	s4 =	stileid.u32;
	s1 =	rddreg [dreg:$0x2]  }
0x4: {  	s5 =	simm.s32 $0x0;
	s16 =	simm.s32 $0x280;
	s3 =	sand.u32 $0x1, s0  }
0x5: {  	s0 =	sshll.u32 s3, $0x4;
	s9 =	smul.u32 $0x9CC0, s3;
	s3 =	ssub.s32 $0x2, s3  }
0x6: {  	s15 =	simm.s32 $0x2280;
	s11 =	simm.s32 $0x100;
	s10 =	sshrl.u32 s3, $0x1  }
0x7: {  	s13 =	simm.s32 $0x4280;
	s12 =	simm.s32 $0x6280;
	s3 =	ssub.s32 s3, s10  }
0x8: {  	p1 =	por $0x0, $0x0;
	s6 =	sor.u32 s4, s0;
	s31 =	smax.u32 s3, $0x1  }
0x9: {  	[smem:$0x7FF] =	sst s5;
	s8 =	smul.u32 $0x1400, s6;
	s20 =	sadd.s32 $0xFFFFFFFF, s31  }
0xa: {  	p0 =	sne.s32 s4, $0x0;
	s6 =	smul.u32 $0x50, s6;
	p2 =	sne.s32 s20, $0x0  }
.Ltmp0:
0xb: {  	s0 =	rddreg [dreg:$0x3];
	_ =	strace $0x8000004A;
	(pc) =	sbr.rel @!p2 .LBB2_3-.Ltmp0, $4  }
0xc: {  	s4 =	simm.s32 $0x1;
	s10 =	simm.s32 $0x8280;
	s3 =	sshrl.u32 @!p0 s1, $0x3  }
0xd: {  	s8 =	sadd.s32 s8, s2;
	s6 =	sadd.s32 s6, s2;
	s2 =	sadd.s32 s9, s2  }
0xe: {  	s9 =	simm.s32 $0x180;
	s17 =	sadd.s32 $0x52C00, s6;
	s14 =	sadd.s32 $0x1600, s8  }
0xf: {  	s2 =	sadd.s32 $0x29600, s2;
	s6 =	simm.s32 $0x80;
	s8 =	simm.s32 $0x200  }
0x10: {  	s19 =	simm.s32 @!p0 $0x1C01;
	s18 =	simm.s32 @!p0 $0x1  }
0x11: {  	[spmem:s3], [sflag:s19] =	dma.local @!p0 [hbm:s7], $0x9CC0  }
0x12: {  	_ =	swait.ge @!p0 [sflag:s18], $0x9CC0  }
0x13: {  	[sflag:s18] =	ssyncset.done @!p0 $0x0  }
0x14: {  	[sflag:s18] =	ssyncadd.s32 @!p0 $0xFFFF6340  }
0x15: {  	[bflag:$0x0] =	sbarrier.arrive $0xFFFF  }
0x16: {  	[tilespmem:s5], [sflag:$0x1] =	stream.linear.gather [hbm4b:s17+s5], $0x280, $0x38;
	[tilespmem:$0xF0E0] =	vst v63  }
0x17: {  	_ =	swait.ge [sflag:s4], $0x280  }
0x18: {  	[sflag:s4] =	ssyncset.done $0x0  }
0x19: {  	[sflag:s4] =	ssyncadd.s32 $0xFFFFFD80  }
0x1a: {  	[tilespmem:s16], [sflag:$0x1] =	stream.linear.gather [hbm4b:s14+s5], $0xA000, $0x38;
	[tilespmem:$0xF0E0] =	vst v63  }
0x1b: {  	_ =	swait.ge [sflag:s4], $0xA000  }
0x1c: {  	[sflag:s4] =	ssyncset.done $0x0  }
0x1d: {  	[sflag:s4] =	ssyncadd.s32 $0xFFFF6000  }
0x1e: {  	[spmem:s1] =	stream.indirect.scatter.add.f32 [tilespmem:s16], [sflag:$0x1], $0x40, s5, s6, $0xb8;
	[tilespmem:$0xF0E0] =	vst v63  }
0x1f: {  	_ =	swait.ge [sflag:s4], $0x2000  }
0x20: {  	[sflag:s4] =	ssyncset.done $0x0  }
0x21: {  	[sflag:s4] =	ssyncadd.s32 $0xFFFFE000  }
0x22: {  	[spmem:s1] =	stream.indirect.scatter.add.f32 [tilespmem:s15], [sflag:$0x1], $0x40, s6, s6, $0xb8;
	[tilespmem:$0xF0E0] =	vst v63  }
0x23: {  	_ =	swait.ge [sflag:s4], $0x2000  }
0x24: {  	[sflag:s4] =	ssyncset.done $0x0  }
0x25: {  	[sflag:s4] =	ssyncadd.s32 $0xFFFFE000  }
0x26: {  	[spmem:s1] =	stream.indirect.scatter.add.f32 [tilespmem:s13], [sflag:$0x1], $0x40, s11, s6, $0xb8;
	[tilespmem:$0xF0E0] =	vst v63  }
0x27: {  	_ =	swait.ge [sflag:s4], $0x2000  }
0x28: {  	[sflag:s4] =	ssyncset.done $0x0  }
0x29: {  	[sflag:s4] =	ssyncadd.s32 $0xFFFFE000  }
0x2a: {  	[spmem:s1] =	stream.indirect.scatter.add.f32 [tilespmem:s12], [sflag:$0x1], $0x40, s9, s6, $0xb8;
	[tilespmem:$0xF0E0] =	vst v63  }
0x2b: {  	_ =	swait.ge [sflag:s4], $0x2000  }
0x2c: {  	[sflag:s4] =	ssyncset.done $0x0  }
0x2d: {  	[sflag:s4] =	ssyncadd.s32 $0xFFFFE000  }
0x2e: {  	[spmem:s1] =	stream.indirect.scatter.add.f32 [tilespmem:s10], [sflag:$0x1], $0x40, s8, s6, $0xb8;
	[tilespmem:$0xF0E0] =	vst v63  }
0x2f: {  	s20 =	sadd.s32 $0xFFFFFFFF, s20;
	_ =	swait.ge [sflag:s4], $0x2000  }
0x30: {  	p2 =	sne.s32 s20, $0x0;
	[sflag:s4] =	ssyncset.done $0x0  }
.Ltmp1:
0x31: {  	[sflag:s4] =	ssyncadd.s32 $0xFFFFE000;
	(pc) =	sbr.rel @!p2 .LBB2_3-.Ltmp1, $4  }
0x32: {  	[bflag:$0x0] =	sbarrier.arrive $0xFFFF  }
0x33: {  	[hbm:s2], [sflag:s19] =	dma.local @!p0 [spmem:s3], $0x9CC0  }
0x34: {  	_ =	swait.ge @!p0 [sflag:s18], $0x9CC0  }
0x35: {  	p1 =	por $0x1, $0x1;
	[sflag:s18] =	ssyncset.done @!p0 $0x0  }
.LBB2_2:
0x36: {  	[sflag:s18] =	ssyncadd.s32 @!p0 $0xFFFF6340  }
0x37: {  	[spmem:s3], [sflag:s19] =	dma.local @!p0 [hbm:s7], $0x9CC0  }
0x38: {  	s20 =	sadd.s32 $0xFFFFFFFF, s20;
	_ =	swait.ge @!p0 [sflag:s18], $0x9CC0  }
0x39: {  	p2 =	sne.s32 s20, $0x0;
	[sflag:s18] =	ssyncset.done @!p0 $0x0  }
0x3a: {  	[sflag:s18] =	ssyncadd.s32 @!p0 $0xFFFF6340  }
0x3b: {  	[bflag:$0x0] =	sbarrier.arrive $0xFFFF  }
0x3c: {  	[tilespmem:s5], [sflag:$0x1] =	stream.linear.gather [hbm4b:s17+s5], $0x280, $0x38;
	[tilespmem:$0xF0E0] =	vst v63  }
0x3d: {  	_ =	swait.ge [sflag:s4], $0x280  }
0x3e: {  	[sflag:s4] =	ssyncset.done $0x0  }
0x3f: {  	[sflag:s4] =	ssyncadd.s32 $0xFFFFFD80  }
0x40: {  	[tilespmem:s16], [sflag:$0x1] =	stream.linear.gather [hbm4b:s14+s5], $0xA000, $0x38;
	[tilespmem:$0xF0E0] =	vst v63  }
0x41: {  	_ =	swait.ge [sflag:s4], $0xA000  }
0x42: {  	[sflag:s4] =	ssyncset.done $0x0  }
0x43: {  	[sflag:s4] =	ssyncadd.s32 $0xFFFF6000  }
0x44: {  	[spmem:s1] =	stream.indirect.scatter.add.f32 [tilespmem:s16], [sflag:$0x1], $0x40, s5, s6, $0xb8;
	[tilespmem:$0xF0E0] =	vst v63  }
0x45: {  	_ =	swait.ge [sflag:s4], $0x2000  }
0x46: {  	[sflag:s4] =	ssyncset.done $0x0  }
0x47: {  	[sflag:s4] =	ssyncadd.s32 $0xFFFFE000  }
0x48: {  	[spmem:s1] =	stream.indirect.scatter.add.f32 [tilespmem:s15], [sflag:$0x1], $0x40, s6, s6, $0xb8;
	[tilespmem:$0xF0E0] =	vst v63  }
0x49: {  	_ =	swait.ge [sflag:s4], $0x2000  }
0x4a: {  	[sflag:s4] =	ssyncset.done $0x0  }
0x4b: {  	[sflag:s4] =	ssyncadd.s32 $0xFFFFE000  }
0x4c: {  	[spmem:s1] =	stream.indirect.scatter.add.f32 [tilespmem:s13], [sflag:$0x1], $0x40, s11, s6, $0xb8;
	[tilespmem:$0xF0E0] =	vst v63  }
0x4d: {  	_ =	swait.ge [sflag:s4], $0x2000  }
0x4e: {  	[sflag:s4] =	ssyncset.done $0x0  }
0x4f: {  	[sflag:s4] =	ssyncadd.s32 $0xFFFFE000  }
0x50: {  	[spmem:s1] =	stream.indirect.scatter.add.f32 [tilespmem:s12], [sflag:$0x1], $0x40, s9, s6, $0xb8;
	[tilespmem:$0xF0E0] =	vst v63  }
0x51: {  	_ =	swait.ge [sflag:s4], $0x2000  }
0x52: {  	[sflag:s4] =	ssyncset.done $0x0  }
0x53: {  	[sflag:s4] =	ssyncadd.s32 $0xFFFFE000  }
0x54: {  	[spmem:s1] =	stream.indirect.scatter.add.f32 [tilespmem:s10], [sflag:$0x1], $0x40, s8, s6, $0xb8;
	[tilespmem:$0xF0E0] =	vst v63  }
0x55: {  	_ =	swait.ge [sflag:s4], $0x2000  }
0x56: {  	[sflag:s4] =	ssyncset.done $0x0  }
.Ltmp2:
0x57: {  	[sflag:s4] =	ssyncadd.s32 $0xFFFFE000;
	(pc) =	sbr.rel @p2 .LBB2_2-.Ltmp2, $4  }
0x58: {  	[bflag:$0x0] =	sbarrier.arrive $0xFFFF  }
0x59: {  	[hbm:s2], [sflag:s19] =	dma.local @!p0 [spmem:s3], $0x9CC0  }
0x5a: {  	_ =	swait.ge @!p0 [sflag:s18], $0x9CC0  }
0x5b: {  	[sflag:s18] =	ssyncset.done @!p0 $0x0  }
.LBB2_3:
0x5c: {  	p1 =	por p0, !p1  }
0x5d: {  	s19 =	simm.s32 @!p0 $0x1C01;
	s20 =	simm.s32 @!p0 $0x1;
	[sflag:s18] =	ssyncadd.s32 @!p1 $0xFFFF6340  }
0x5e: {  	[spmem:s3], [sflag:s19] =	dma.local @!p0 [hbm:s7], $0x9CC0  }
0x5f: {  	_ =	swait.ge @!p0 [sflag:s20], $0x9CC0  }
0x60: {  	[sflag:s20] =	ssyncset.done @!p0 $0x0  }
0x61: {  	[sflag:s20] =	ssyncadd.s32 @!p0 $0xFFFF6340  }
0x62: {  	[bflag:$0x0] =	sbarrier.arrive $0xFFFF  }
0x63: {  	[tilespmem:s5], [sflag:$0x1] =	stream.linear.gather [hbm4b:s17+s5], $0x280, $0x38;
	[tilespmem:$0xF0E0] =	vst v63  }
0x64: {  	_ =	swait.ge [sflag:s4], $0x280  }
0x65: {  	[sflag:s4] =	ssyncset.done $0x0  }
0x66: {  	[sflag:s4] =	ssyncadd.s32 $0xFFFFFD80  }
0x67: {  	[tilespmem:s16], [sflag:$0x1] =	stream.linear.gather [hbm4b:s14+s5], $0xA000, $0x38;
	[tilespmem:$0xF0E0] =	vst v63  }
0x68: {  	_ =	swait.ge [sflag:s4], $0xA000  }
0x69: {  	[sflag:s4] =	ssyncset.done $0x0  }
0x6a: {  	[sflag:s4] =	ssyncadd.s32 $0xFFFF6000  }
0x6b: {  	[spmem:s1] =	stream.indirect.scatter.add.f32 [tilespmem:s16], [sflag:$0x1], $0x40, s5, s6, $0xb8;
	[tilespmem:$0xF0E0] =	vst v63  }
0x6c: {  	_ =	swait.ge [sflag:s4], $0x2000  }
0x6d: {  	[sflag:s4] =	ssyncset.done $0x0  }
0x6e: {  	[sflag:s4] =	ssyncadd.s32 $0xFFFFE000  }
0x6f: {  	[spmem:s1] =	stream.indirect.scatter.add.f32 [tilespmem:s15], [sflag:$0x1], $0x40, s6, s6, $0xb8;
	[tilespmem:$0xF0E0] =	vst v63  }
0x70: {  	_ =	swait.ge [sflag:s4], $0x2000  }
0x71: {  	[sflag:s4] =	ssyncset.done $0x0  }
0x72: {  	[sflag:s4] =	ssyncadd.s32 $0xFFFFE000  }
0x73: {  	[spmem:s1] =	stream.indirect.scatter.add.f32 [tilespmem:s13], [sflag:$0x1], $0x40, s11, s6, $0xb8;
	[tilespmem:$0xF0E0] =	vst v63  }
0x74: {  	_ =	swait.ge [sflag:s4], $0x2000  }
0x75: {  	[sflag:s4] =	ssyncset.done $0x0  }
0x76: {  	[sflag:s4] =	ssyncadd.s32 $0xFFFFE000  }
0x77: {  	[spmem:s1] =	stream.indirect.scatter.add.f32 [tilespmem:s12], [sflag:$0x1], $0x40, s9, s6, $0xb8;
	[tilespmem:$0xF0E0] =	vst v63  }
0x78: {  	_ =	swait.ge [sflag:s4], $0x2000  }
0x79: {  	[sflag:s4] =	ssyncset.done $0x0  }
0x7a: {  	[sflag:s4] =	ssyncadd.s32 $0xFFFFE000  }
0x7b: {  	[spmem:s1] =	stream.indirect.scatter.add.f32 [tilespmem:s10], [sflag:$0x1], $0x40, s8, s6, $0xb8;
	[tilespmem:$0xF0E0] =	vst v63  }
0x7c: {  	_ =	swait.ge [sflag:s4], $0x2000  }
0x7d: {  	[sflag:s4] =	ssyncset.done $0x0  }
0x7e: {  	[sflag:s4] =	ssyncadd.s32 $0xFFFFE000  }
0x7f: {  	[bflag:$0x0] =	sbarrier.arrive $0xFFFF  }
0x80: {  	[hbm:s2], [sflag:s19] =	dma.local @!p0 [spmem:s3], $0x9CC0  }
0x81: {  	_ =	swait.ge @!p0 [sflag:s20], $0x9CC0  }
0x82: {  	[sflag:s20] =	ssyncset.done @!p0 $0x0  }
0x83: {  	[sflag:s20] =	ssyncadd.s32 @!p0 $0xFFFF6340  }
0x84: {  	_ =	sfence.sel $0x180000  }
0x85: {  	[bflag:$0x0] =	sbarrier.arrive $0xFFFF  }
0x86: {  	_ =	strace $0x9000004A  }
0x87: {  	s0 =	sadd.s32 @!p0 $0x100000, s0;
	[bflag:$0x2] =	sbarrier.arrive $0xFFFF  }
0x88: {  	[sflag:s0] =	ssyncadd.tile.s32 @!p0 $0x1;
	_ =	shalt  }
.Lfunc_end2:
_tile_overlayer_lowered:
.L_overlay_start_2:
0x89: {  	(tag) =	ssettag $0x2  }
0x8a: {  	s0 =	rddreg [dreg:$0x0];
	s2 =	stileid.u32  }
0x8b: {  	s1 =	rddreg [dreg:$0x1];
	p0 =	sne.s32 s2, $0x0  }
0x8c: {  	s3 =	rddreg [dreg:$0x2];
	[bflag:$0x3] =	sbarrier.arrive $0xFFFF;
	s2 =	simm.s32 @!p0 $0x1C01  }
0x8d: {  	[timem:s3], [sflag:s2] =	dma.local @!p0 [hbm:s0], s1  }
0x8e: {  	s0 =	simm.s32 @!p0 $0x1  }
0x8f: {  	_ =	swait.ge @!p0 [sflag:s0], s1  }
0x90: {  	s1 =	ssub.s32 @!p0 $0x0, s1;
	[sflag:s0] =	ssyncset.done @!p0 $0x0  }
0x91: {  	[sflag:s0] =	ssyncadd.s32 @!p0 s1  }
0x92: {  	[bflag:$0x3] =	sbarrier.arrive $0xFFFF  }
0x93: {  	_ =	shalt  }

</sc_bundles>
